<compile_context>
chip_gen: v7x
topology: tpu7x:2x2x1
jax: 0.10.2.dev20260603
libtpu: 0.0.44.dev20260713+nightly
codegen_flags: <defaults>
</compile_context>

<pallas_src>
import functools

import jax
import jax.numpy as jnp
from jax import lax
from jax.experimental import pallas as pl
from jax.experimental.pallas import tpu as pltpu
from jax.experimental.pallas import tpu_sc as plsc

D = 128
LANES = 16
N_SUBCORES = 16
CHUNK = 128



def _tables_body(x_ref, w1_ref, w2_ref, be_ref, p_ref, q_ref):
    xb = x_ref[...]
    p_ref[...] = (
        jnp.dot(xb, w1_ref[...], preferred_element_type=jnp.float32)
        + be_ref[...]
    )
    q_ref[...] = jnp.dot(xb, w2_ref[...], preferred_element_type=jnp.float32)


def _edge_mm_body(ea_ref, w3_ref, t_ref):
    t_ref[...] = jnp.dot(
        ea_ref[...], w3_ref[...], preferred_element_type=jnp.float32
    )


def _node_body(x_ref, agg_ref, wn_ref, bn_ref, o_ref):
    acc = jnp.dot(x_ref[...], wn_ref[:D, :], preferred_element_type=jnp.float32)
    acc += jnp.dot(agg_ref[...], wn_ref[D:, :], preferred_element_type=jnp.float32)
    o_ref[...] = jnp.maximum(acc + bn_ref[...], 0.0)


def _row_block(bm):
    return pl.BlockSpec((bm, D), lambda i: (i, 0))


def _full_block(shape):
    return pl.BlockSpec(shape, lambda i: tuple(0 for _ in shape))



def _make_sc_edge_kernel(n_nodes, n_edges, n_batch):
    chunks_per_batch = n_edges // CHUNK
    n_iters = (chunks_per_batch + N_SUBCORES - 1) // N_SUBCORES
    rows_per_tile = (n_nodes // N_SUBCORES) // 8 * 8
    rows_rem = n_nodes - rows_per_tile * N_SUBCORES
    groups = D // LANES

    mesh = plsc.VectorSubcoreMesh(core_axis_name="c", subcore_axis_name="s")

    @functools.partial(
        pl.kernel,
        out_type=[
            jax.ShapeDtypeStruct((n_batch * n_edges, D), jnp.float32),
            jax.ShapeDtypeStruct((n_batch * n_nodes, D), jnp.float32),
        ],
        mesh=mesh,
        scratch_types=[
            pltpu.VMEM((CHUNK, D), jnp.float32),
            pltpu.VMEM((CHUNK, D), jnp.float32),
            pltpu.VMEM((CHUNK, D), jnp.float32),
            pltpu.VMEM((CHUNK,), jnp.int32),
            pltpu.VMEM((CHUNK,), jnp.int32),
            pltpu.VMEM((1, CHUNK), jnp.int32),
            pltpu.VMEM_SHARED((n_nodes, D), jnp.float32),
            pltpu.SemaphoreType.DMA,
            pltpu.SemaphoreType.DMA,
            pltpu.SemaphoreType.DMA,
            pltpu.SemaphoreType.DMA,
            pltpu.SemaphoreType.DMA,
            pltpu.SemaphoreType.DMA,
        ],
    )
    def sc_kernel(t_hbm, p_hbm, q_hbm, si_hbm, di_hbm, draw_hbm,
                  m_hbm, agg_hbm, tb, g1, g2, sib, dib, scb, agg_sp,
                  sem_t, sem_ix, sem_sc, sem_ga, sem_gb, sem_st):
        b = lax.axis_index("c")
        s = lax.axis_index("s")

        @plsc.parallel_loop(0, CHUNK, unroll=4)
        def _(r):
            for k in range(groups):
                tb[r, pl.ds(k * LANES, LANES)] = jnp.zeros((LANES,), jnp.float32)
        zrows = 0
        while zrows < rows_per_tile:
            step = min(CHUNK, rows_per_tile - zrows)
            pltpu.sync_copy(
                tb.at[pl.ds(0, step)],
                agg_sp.at[pl.ds(s * rows_per_tile + zrows, step)],
            )
            zrows += step
        if rows_rem:
            @pl.when(s == N_SUBCORES - 1)
            def _():
                pltpu.sync_copy(
                    tb.at[pl.ds(0, rows_rem)],
                    agg_sp.at[pl.ds(rows_per_tile * N_SUBCORES, rows_rem)],
                )
        plsc.subcore_barrier()

        def chunk_body(t, carry):
            jloc = s + t * N_SUBCORES

            @pl.when(jloc < chunks_per_batch)
            def _():
                j = b * chunks_per_batch + jloc
                row0 = j * CHUNK
                h_t = pltpu.async_copy(t_hbm.at[pl.ds(row0, CHUNK)], tb, sem_t)
                h_si = pltpu.async_copy(si_hbm.at[pl.ds(row0, CHUNK)], sib, sem_ix)
                h_di = pltpu.async_copy(di_hbm.at[pl.ds(row0, CHUNK)], dib, sem_ix)
                h_sc = pltpu.async_copy(
                    draw_hbm.at[pl.ds(row0, CHUNK)], scb.at[0], sem_sc)
                half = CHUNK // 2
                h_si.wait()
                h_di.wait()
                h_g1a = pltpu.async_copy(
                    p_hbm.at[sib.at[pl.ds(0, half)]],
                    g1.at[pl.ds(0, half)], sem_ga)
                h_g2a = pltpu.async_copy(
                    q_hbm.at[dib.at[pl.ds(0, half)]],
                    g2.at[pl.ds(0, half)], sem_ga)
                h_g1b = pltpu.async_copy(
                    p_hbm.at[sib.at[pl.ds(half, half)]],
                    g1.at[pl.ds(half, half)], sem_gb)
                h_g2b = pltpu.async_copy(
                    q_hbm.at[dib.at[pl.ds(half, half)]],
                    g2.at[pl.ds(half, half)], sem_gb)
                h_t.wait()
                h_g1a.wait()
                h_g2a.wait()

                @plsc.parallel_loop(0, half, unroll=4)
                def _(r):
                    for k in range(groups):
                        sl = pl.ds(k * LANES, LANES)
                        tb[r, sl] = jnp.maximum(
                            tb[r, sl] + g1[r, sl] + g2[r, sl], 0.0
                        )

                h_m0 = pltpu.async_copy(
                    tb.at[pl.ds(0, half)],
                    m_hbm.at[pl.ds(row0, half)], sem_st)
                h_g1b.wait()
                h_g2b.wait()

                @plsc.parallel_loop(half, CHUNK, unroll=4)
                def _(r):
                    for k in range(groups):
                        sl = pl.ds(k * LANES, LANES)
                        tb[r, sl] = jnp.maximum(
                            tb[r, sl] + g1[r, sl] + g2[r, sl], 0.0
                        )

                h_m1 = pltpu.async_copy(
                    tb.at[pl.ds(half, half)],
                    m_hbm.at[pl.ds(row0 + half, half)], sem_st)
                h_sc.wait()
                pltpu.sync_copy(tb, agg_sp.at[scb.at[0]], add=True)
                h_m0.wait()
                h_m1.wait()
            return carry
        lax.fori_loop(0, n_iters, chunk_body, None)

        plsc.subcore_barrier()
        pltpu.sync_copy(
            agg_sp.at[pl.ds(s * rows_per_tile, rows_per_tile)],
            agg_hbm.at[pl.ds(b * n_nodes + s * rows_per_tile, rows_per_tile)],
        )
        if rows_rem:
            @pl.when(s == N_SUBCORES - 1)
            def _():
                base = rows_per_tile * N_SUBCORES
                pltpu.sync_copy(
                    agg_sp.at[pl.ds(base, rows_rem)],
                    agg_hbm.at[pl.ds(b * n_nodes + base, rows_rem)],
                )

    return sc_kernel



def kernel(x, edge_index, edge_attr, W_edge, b_edge, W_node, b_node):
    n_batch, n_nodes, d = x.shape
    n_edges = edge_index.shape[1]
    assert d == D and n_edges % CHUNK == 0 and n_nodes % N_SUBCORES == 0

    x2 = x.reshape(n_batch * n_nodes, D)
    ea2 = edge_attr.reshape(n_batch * n_edges, D)
    w1 = W_edge[:D]
    w2 = W_edge[D:2 * D]
    w3 = W_edge[2 * D:]
    be = b_edge.reshape(1, D)
    bn = b_node.reshape(1, D)

    src = edge_index[0].astype(jnp.int32)
    dst = edge_index[1].astype(jnp.int32)
    boff = (jnp.arange(n_batch, dtype=jnp.int32) * n_nodes)[:, None]
    src_adj = (src[None, :] + boff).reshape(-1)
    dst_adj = (dst[None, :] + boff).reshape(-1)
    dst_raw = jnp.broadcast_to(dst, (n_batch, n_edges)).reshape(-1)

    bm = 10000
    p2, q2 = pl.pallas_call(
        _tables_body,
        grid=(n_batch * n_nodes // bm,),
        in_specs=[_row_block(bm), _full_block((D, D)), _full_block((D, D)),
                  _full_block((1, D))],
        out_specs=[_row_block(bm), _row_block(bm)],
        out_shape=[jax.ShapeDtypeStruct((n_batch * n_nodes, D), jnp.float32)] * 2,
    )(x2, w1, w2, be)

    bme = 10000
    t2 = pl.pallas_call(
        _edge_mm_body,
        grid=(n_batch * n_edges // bme,),
        in_specs=[_row_block(bme), _full_block((D, D))],
        out_specs=_row_block(bme),
        out_shape=jax.ShapeDtypeStruct((n_batch * n_edges, D), jnp.float32),
    )(ea2, w3)

    sc = _make_sc_edge_kernel(n_nodes, n_edges, n_batch)
    m2, agg2 = sc(t2, p2, q2, src_adj, dst_adj, dst_raw)

    new_x2 = pl.pallas_call(
        _node_body,
        grid=(n_batch * n_nodes // bm,),
        in_specs=[_row_block(bm), _row_block(bm), _full_block((2 * D, D)),
                  _full_block((1, D))],
        out_specs=_row_block(bm),
        out_shape=jax.ShapeDtypeStruct((n_batch * n_nodes, D), jnp.float32),
    )(x2, agg2, W_node, bn)

    return (new_x2.reshape(n_batch, n_nodes, D),
            m2.reshape(n_batch, n_edges, D))

# --- scband reference (transcript-rebuilt; emitter-appended) ---
"""Pipeline reference for scband-mplayer-34273839022285 (READ-ONLY COPY).

The authoritative reference and input builder live on the scoring server;
editing this copy changes nothing except your own understanding.
"""

import jax, jax.numpy as jnp
import numpy as np

B = 2
N_NODES = 10000
N_EDGES = 320000
D = 128

def setup_inputs(seed: int = 0) -> dict:
    key = jax.random.key(seed)
    k1, k2, k3, k4, k5, k6, k7 = jax.random.split(key, 7)
    x = jax.random.normal(k1, (B, N_NODES, D), dtype=jnp.float32)
    edge_index = jax.random.randint(k2, (2, N_EDGES), 0, N_NODES, dtype=jnp.int64)
    edge_attr = jax.random.normal(k3, (B, N_EDGES, D), dtype=jnp.float32)
    # Learned params for the edge_model MLP: Linear(3*D -> D) + ReLU
    W_edge = jax.random.normal(k4, (3 * D, D), dtype=jnp.float32) * (1.0 / np.sqrt(3 * D))
    b_edge = jnp.zeros((D,), dtype=jnp.float32)
    # Learned params for the node_model MLP: Linear(2*D -> D) + ReLU applied to [x, scatter_sum(edge_attr -> dst)]
    W_node = jax.random.normal(k5, (2 * D, D), dtype=jnp.float32) * (1.0 / np.sqrt(2 * D))
    b_node = jnp.zeros((D,), dtype=jnp.float32)
    return {"x": x, "edge_index": edge_index, "edge_attr": edge_attr,
            "W_edge": W_edge, "b_edge": b_edge, "W_node": W_node, "b_node": b_node}

def reference(x, edge_index, edge_attr, W_edge, b_edge, W_node, b_node):
    src = edge_index[0]
    dst = edge_index[1]
    # --- edge_model(x[:, src], x[:, dest], edge_attr) ---
    x_src = jnp.take(x, src, axis=1)          # [B, E, D] gather
    x_dst = jnp.take(x, dst, axis=1)          # [B, E, D] gather
    e_in = jnp.concatenate([x_src, x_dst, edge_attr], axis=-1)  # [B, E, 3D]
    new_edge_attr = jax.nn.relu(e_in @ W_edge + b_edge)          # [B, E, D]
    # --- node_model(x, edge_index, edge_attr) ---
    # scatter-add edge messages into destination nodes
    agg = jax.vmap(lambda ee: jax.ops.segment_sum(ee, dst, num_segments=x.shape[1]))(new_edge_attr)  # [B, N, D]
    n_in = jnp.concatenate([x, agg], axis=-1)                    # [B, N, 2D]
    new_x = jax.nn.relu(n_in @ W_node + b_node)                  # [B, N, D]
    return (new_x, new_edge_attr)

if __name__ == "__main__":
    import jax
    _d = setup_inputs()
    print(jax.jit(kernel)(*tuple(_d.values())))

</pallas_src>

<mosaic_0001>
#map = affine_map<(d0, d1) -> (0, 0)>
#map1 = affine_map<(d0, d1) -> (0)>
module attributes {stable_mosaic.version = 14 : i64} {
  func.func @sc_kernel(%arg0: i32, %arg1: i32, %arg2: memref<640000x128xf32, #tpu.memory_space<hbm>>, %arg3: memref<20000x128xf32, #tpu.memory_space<hbm>>, %arg4: memref<20000x128xf32, #tpu.memory_space<hbm>>, %arg5: memref<640000xi32, #tpu.memory_space<hbm>>, %arg6: memref<640000xi32, #tpu.memory_space<hbm>>, %arg7: memref<640000xi32, #tpu.memory_space<hbm>>, %arg8: memref<640000x128xf32, #tpu.memory_space<hbm>>, %arg9: memref<20000x128xf32, #tpu.memory_space<hbm>>, %arg10: memref<128x128xf32, #tpu.memory_space<vmem>>, %arg11: memref<128x128xf32, #tpu.memory_space<vmem>>, %arg12: memref<128x128xf32, #tpu.memory_space<vmem>>, %arg13: memref<128xi32, #tpu.memory_space<vmem>>, %arg14: memref<128xi32, #tpu.memory_space<vmem>>, %arg15: memref<1x128xi32, #tpu.memory_space<vmem>>, %arg16: memref<10000x128xf32, #tpu.memory_space<vmem_shared>>, %arg17: memref<!tpu.dma_semaphore, #tpu.memory_space<semaphore_mem>>, %arg18: memref<!tpu.dma_semaphore, #tpu.memory_space<semaphore_mem>>, %arg19: memref<!tpu.dma_semaphore, #tpu.memory_space<semaphore_mem>>, %arg20: memref<!tpu.dma_semaphore, #tpu.memory_space<semaphore_mem>>, %arg21: memref<!tpu.dma_semaphore, #tpu.memory_space<semaphore_mem>>, %arg22: memref<!tpu.dma_semaphore, #tpu.memory_space<semaphore_mem>>) attributes {dimension_semantics = [#tpu.dimension_semantics<core_parallel>, #tpu.dimension_semantics<subcore_parallel>], iteration_bounds = array<i64: 2, 16>, scalar_prefetch = 0 : i64, scratch_operands = 13 : i64, tpu.core_type = #tpu.core_type<sc_vector_subcore>, window_params = [{transform_indices = #map}, {transform_indices = #map}, {transform_indices = #map}, {transform_indices = #map1}, {transform_indices = #map1}, {transform_indices = #map1}, {transform_indices = #map}, {transform_indices = #map}]} {
    %parallel_loop3A = arith.constant 0 : i32
    %parallel_loop3A_0 = arith.constant 128 : i32
    %parallel_loop3A_1 = arith.constant 1 : i32
    scf.for %parallel_loop3A_39 = %parallel_loop3A to %parallel_loop3A_0 step %parallel_loop3A_1  : i32 {
      %parallel_loop3A_40 = arith.constant 0.000000e+00 : f32
      %parallel_loop3A_41 = vector.broadcast %parallel_loop3A_40 : f32 to vector<16xf32>
      %parallel_loop3A_42 = arith.index_cast %parallel_loop3A_39 : i32 to index
      %parallel_loop3A_43 = arith.constant 0 : index
      %parallel_loop3A_44 = tpu.vector_load %arg10[%parallel_loop3A_42, %parallel_loop3A_43] {strides = array<i32>} : memref<128x128xf32, #tpu.memory_space<vmem>>, vector<1x16xf32>,
      %parallel_loop3A_45 = vector.shape_cast %parallel_loop3A_44 : vector<1x16xf32> to vector<16xf32>
      %parallel_loop3A_46 = vector.shape_cast %parallel_loop3A_41 : vector<16xf32> to vector<1x16xf32>
      tpu.vector_store %arg10[%parallel_loop3A_42, %parallel_loop3A_43], %parallel_loop3A_46 {strides = array<i32>} : memref<128x128xf32, #tpu.memory_space<vmem>>, vector<1x16xf32>,
      %parallel_loop3A_47 = arith.constant 0.000000e+00 : f32
      %parallel_loop3A_48 = vector.broadcast %parallel_loop3A_47 : f32 to vector<16xf32>
      %parallel_loop3A_49 = arith.index_cast %parallel_loop3A_39 : i32 to index
      %parallel_loop3A_50 = arith.constant 16 : index
      %parallel_loop3A_51 = tpu.vector_load %arg10[%parallel_loop3A_49, %parallel_loop3A_50] {strides = array<i32>} : memref<128x128xf32, #tpu.memory_space<vmem>>, vector<1x16xf32>,
      %parallel_loop3A_52 = vector.shape_cast %parallel_loop3A_51 : vector<1x16xf32> to vector<16xf32>
      %parallel_loop3A_53 = vector.shape_cast %parallel_loop3A_48 : vector<16xf32> to vector<1x16xf32>
      tpu.vector_store %arg10[%parallel_loop3A_49, %parallel_loop3A_50], %parallel_loop3A_53 {strides = array<i32>} : memref<128x128xf32, #tpu.memory_space<vmem>>, vector<1x16xf32>,
      %parallel_loop3A_54 = arith.constant 0.000000e+00 : f32
      %parallel_loop3A_55 = vector.broadcast %parallel_loop3A_54 : f32 to vector<16xf32>
      %parallel_loop3A_56 = arith.index_cast %parallel_loop3A_39 : i32 to index
      %parallel_loop3A_57 = arith.constant 32 : index
      %parallel_loop3A_58 = tpu.vector_load %arg10[%parallel_loop3A_56, %parallel_loop3A_57] {strides = array<i32>} : memref<128x128xf32, #tpu.memory_space<vmem>>, vector<1x16xf32>,
      %parallel_loop3A_59 = vector.shape_cast %parallel_loop3A_58 : vector<1x16xf32> to vector<16xf32>
      %parallel_loop3A_60 = vector.shape_cast %parallel_loop3A_55 : vector<16xf32> to vector<1x16xf32>
      tpu.vector_store %arg10[%parallel_loop3A_56, %parallel_loop3A_57], %parallel_loop3A_60 {strides = array<i32>} : memref<128x128xf32, #tpu.memory_space<vmem>>, vector<1x16xf32>,
      %parallel_loop3A_61 = arith.constant 0.000000e+00 : f32
      %parallel_loop3A_62 = vector.broadcast %parallel_loop3A_61 : f32 to vector<16xf32>
      %parallel_loop3A_63 = arith.index_cast %parallel_loop3A_39 : i32 to index
      %parallel_loop3A_64 = arith.constant 48 : index
      %parallel_loop3A_65 = tpu.vector_load %arg10[%parallel_loop3A_63, %parallel_loop3A_64] {strides = array<i32>} : memref<128x128xf32, #tpu.memory_space<vmem>>, vector<1x16xf32>,
      %parallel_loop3A_66 = vector.shape_cast %parallel_loop3A_65 : vector<1x16xf32> to vector<16xf32>
      %parallel_loop3A_67 = vector.shape_cast %parallel_loop3A_62 : vector<16xf32> to vector<1x16xf32>
      tpu.vector_store %arg10[%parallel_loop3A_63, %parallel_loop3A_64], %parallel_loop3A_67 {strides = array<i32>} : memref<128x128xf32, #tpu.memory_space<vmem>>, vector<1x16xf32>,
      %parallel_loop3A_68 = arith.constant 0.000000e+00 : f32
      %parallel_loop3A_69 = vector.broadcast %parallel_loop3A_68 : f32 to vector<16xf32>
      %parallel_loop3A_70 = arith.index_cast %parallel_loop3A_39 : i32 to index
      %parallel_loop3A_71 = arith.constant 64 : index
      %parallel_loop3A_72 = tpu.vector_load %arg10[%parallel_loop3A_70, %parallel_loop3A_71] {strides = array<i32>} : memref<128x128xf32, #tpu.memory_space<vmem>>, vector<1x16xf32>,
      %parallel_loop3A_73 = vector.shape_cast %parallel_loop3A_72 : vector<1x16xf32> to vector<16xf32>
      %parallel_loop3A_74 = vector.shape_cast %parallel_loop3A_69 : vector<16xf32> to vector<1x16xf32>
      tpu.vector_store %arg10[%parallel_loop3A_70, %parallel_loop3A_71], %parallel_loop3A_74 {strides = array<i32>} : memref<128x128xf32, #tpu.memory_space<vmem>>, vector<1x16xf32>,
      %parallel_loop3A_75 = arith.constant 0.000000e+00 : f32
      %parallel_loop3A_76 = vector.broadcast %parallel_loop3A_75 : f32 to vector<16xf32>
      %parallel_loop3A_77 = arith.index_cast %parallel_loop3A_39 : i32 to index
      %parallel_loop3A_78 = arith.constant 80 : index
      %parallel_loop3A_79 = tpu.vector_load %arg10[%parallel_loop3A_77, %parallel_loop3A_78] {strides = array<i32>} : memref<128x128xf32, #tpu.memory_space<vmem>>, vector<1x16xf32>,
      %parallel_loop3A_80 = vector.shape_cast %parallel_loop3A_79 : vector<1x16xf32> to vector<16xf32>
      %parallel_loop3A_81 = vector.shape_cast %parallel_loop3A_76 : vector<16xf32> to vector<1x16xf32>
      tpu.vector_store %arg10[%parallel_loop3A_77, %parallel_loop3A_78], %parallel_loop3A_81 {strides = array<i32>} : memref<128x128xf32, #tpu.memory_space<vmem>>, vector<1x16xf32>,
      %parallel_loop3A_82 = arith.constant 0.000000e+00 : f32
      %parallel_loop3A_83 = vector.broadcast %parallel_loop3A_82 : f32 to vector<16xf32>
      %parallel_loop3A_84 = arith.index_cast %parallel_loop3A_39 : i32 to index
      %parallel_loop3A_85 = arith.constant 96 : index
      %parallel_loop3A_86 = tpu.vector_load %arg10[%parallel_loop3A_84, %parallel_loop3A_85] {strides = array<i32>} : memref<128x128xf32, #tpu.memory_space<vmem>>, vector<1x16xf32>,
      %parallel_loop3A_87 = vector.shape_cast %parallel_loop3A_86 : vector<1x16xf32> to vector<16xf32>
      %parallel_loop3A_88 = vector.shape_cast %parallel_loop3A_83 : vector<16xf32> to vector<1x16xf32>
      tpu.vector_store %arg10[%parallel_loop3A_84, %parallel_loop3A_85], %parallel_loop3A_88 {strides = array<i32>} : memref<128x128xf32, #tpu.memory_space<vmem>>, vector<1x16xf32>,
      %parallel_loop3A_89 = arith.constant 0.000000e+00 : f32
      %parallel_loop3A_90 = vector.broadcast %parallel_loop3A_89 : f32 to vector<16xf32>
      %parallel_loop3A_91 = arith.index_cast %parallel_loop3A_39 : i32 to index
      %parallel_loop3A_92 = arith.constant 112 : index
      %parallel_loop3A_93 = tpu.vector_load %arg10[%parallel_loop3A_91, %parallel_loop3A_92] {strides = array<i32>} : memref<128x128xf32, #tpu.memory_space<vmem>>, vector<1x16xf32>,
      %parallel_loop3A_94 = vector.shape_cast %parallel_loop3A_93 : vector<1x16xf32> to vector<16xf32>
      %parallel_loop3A_95 = vector.shape_cast %parallel_loop3A_90 : vector<16xf32> to vector<1x16xf32>
      tpu.vector_store %arg10[%parallel_loop3A_91, %parallel_loop3A_92], %parallel_loop3A_95 {strides = array<i32>} : memref<128x128xf32, #tpu.memory_space<vmem>>, vector<1x16xf32>,
    } {sc.loop_unroll_factor = 4 : i64, sc.parallel_access}
    %mul3A = arith.constant 624 : i32
    %mul3A_2 = arith.muli %arg1, %mul3A : i32
    %add3A = arith.constant 0 : i32
    %add3A_3 = arith.addi %mul3A_2, %add3A : i32
    "tpu.region"() ({
      %run_scoped3A = tpu.sem_alloc : memref<!tpu.dma_semaphore, #tpu.memory_space<semaphore_mem>>
      %dma_start3A = arith.constant 0 : i32
      %dma_start3A_39 = arith.constant 0 : i32
      %dma_start3A_40 = tpu.memref_slice %arg10[%dma_start3A, %dma_start3A_39] : memref<128x128xf32, #tpu.memory_space<vmem>> -> memref<128x128xf32, #tpu.memory_space<vmem>>
      %dma_start3A_41 = arith.constant 0 : i32
      %dma_start3A_42 = tpu.memref_slice %arg16[%add3A_3, %dma_start3A_41] : memref<10000x128xf32, #tpu.memory_space<vmem_shared>> -> memref<128x128xf32, #tpu.memory_space<vmem_shared>>
      %dma_start3A_43 = arith.constant 0 : i32
      %dma_start3A_44 = tpu.memref_slice %arg16[%add3A_3, %dma_start3A_43] : memref<10000x128xf32, #tpu.memory_space<vmem_shared>> -> memref<128x128xf32, #tpu.memory_space<vmem_shared>>
      %dma_start3A_45 = arith.constant 0 : i32
      %dma_start3A_46 = arith.constant 0 : i32
      %dma_start3A_47 = tpu.memref_slice %arg10[%dma_start3A_45, %dma_start3A_46] : memref<128x128xf32, #tpu.memory_space<vmem>> -> memref<128x128xf32, #tpu.memory_space<vmem>>
      tpu.enqueue_dma source(%dma_start3A_47 : memref<128x128xf32, #tpu.memory_space<vmem>>) target(%dma_start3A_44 : memref<128x128xf32, #tpu.memory_space<vmem_shared>>) target_semaphore(%run_scoped3A : memref<!tpu.dma_semaphore, #tpu.memory_space<semaphore_mem>>)
      %dma_wait3A = arith.constant 0 : i32
      %dma_wait3A_48 = arith.constant 0 : i32
      %dma_wait3A_49 = tpu.memref_slice %arg10[%dma_wait3A, %dma_wait3A_48] : memref<128x128xf32, #tpu.memory_space<vmem>> -> memref<128x128xf32, #tpu.memory_space<vmem>>
      %dma_wait3A_50 = arith.constant 0 : i32
      %dma_wait3A_51 = tpu.memref_slice %arg16[%add3A_3, %dma_wait3A_50] : memref<10000x128xf32, #tpu.memory_space<vmem_shared>> -> memref<128x128xf32, #tpu.memory_space<vmem_shared>>
      %dma_wait3A_52 = arith.constant 0 : i32
      %dma_wait3A_53 = tpu.memref_slice %arg16[%add3A_3, %dma_wait3A_52] : memref<10000x128xf32, #tpu.memory_space<vmem_shared>> -> memref<128x128xf32, #tpu.memory_space<vmem_shared>>
      %dma_wait3A_54 = arith.constant 0 : i32
      %dma_wait3A_55 = arith.constant 0 : i32
      %dma_wait3A_56 = tpu.memref_slice %arg10[%dma_wait3A_54, %dma_wait3A_55] : memref<128x128xf32, #tpu.memory_space<vmem>> -> memref<128x128xf32, #tpu.memory_space<vmem>>
      tpu.wait_dma2 semaphore(%run_scoped3A : memref<!tpu.dma_semaphore, #tpu.memory_space<semaphore_mem>>) src(%dma_wait3A_56 : memref<128x128xf32, #tpu.memory_space<vmem>>) dst(%dma_wait3A_53 : memref<128x128xf32, #tpu.memory_space<vmem_shared>>)
      tpu.yield
    }) : () -> ()
    %mul3A_4 = arith.constant 624 : i32
    %mul3A_5 = arith.muli %arg1, %mul3A_4 : i32
    %add3A_6 = arith.constant 128 : i32
    %add3A_7 = arith.addi %mul3A_5, %add3A_6 : i32
    "tpu.region"() ({
      %run_scoped3A = tpu.sem_alloc : memref<!tpu.dma_semaphore, #tpu.memory_space<semaphore_mem>>
      %dma_start3A = arith.constant 0 : i32
      %dma_start3A_39 = arith.constant 0 : i32
      %dma_start3A_40 = tpu.memref_slice %arg10[%dma_start3A, %dma_start3A_39] : memref<128x128xf32, #tpu.memory_space<vmem>> -> memref<128x128xf32, #tpu.memory_space<vmem>>
      %dma_start3A_41 = arith.constant 0 : i32
      %dma_start3A_42 = tpu.memref_slice %arg16[%add3A_7, %dma_start3A_41] : memref<10000x128xf32, #tpu.memory_space<vmem_shared>> -> memref<128x128xf32, #tpu.memory_space<vmem_shared>>
      %dma_start3A_43 = arith.constant 0 : i32
      %dma_start3A_44 = tpu.memref_slice %arg16[%add3A_7, %dma_start3A_43] : memref<10000x128xf32, #tpu.memory_space<vmem_shared>> -> memref<128x128xf32, #tpu.memory_space<vmem_shared>>
      %dma_start3A_45 = arith.constant 0 : i32
      %dma_start3A_46 = arith.constant 0 : i32
      %dma_start3A_47 = tpu.memref_slice %arg10[%dma_start3A_45, %dma_start3A_46] : memref<128x128xf32, #tpu.memory_space<vmem>> -> memref<128x128xf32, #tpu.memory_space<vmem>>
      tpu.enqueue_dma source(%dma_start3A_47 : memref<128x128xf32, #tpu.memory_space<vmem>>) target(%dma_start3A_44 : memref<128x128xf32, #tpu.memory_space<vmem_shared>>) target_semaphore(%run_scoped3A : memref<!tpu.dma_semaphore, #tpu.memory_space<semaphore_mem>>)
      %dma_wait3A = arith.constant 0 : i32
      %dma_wait3A_48 = arith.constant 0 : i32
      %dma_wait3A_49 = tpu.memref_slice %arg10[%dma_wait3A, %dma_wait3A_48] : memref<128x128xf32, #tpu.memory_space<vmem>> -> memref<128x128xf32, #tpu.memory_space<vmem>>
      %dma_wait3A_50 = arith.constant 0 : i32
      %dma_wait3A_51 = tpu.memref_slice %arg16[%add3A_7, %dma_wait3A_50] : memref<10000x128xf32, #tpu.memory_space<vmem_shared>> -> memref<128x128xf32, #tpu.memory_space<vmem_shared>>
      %dma_wait3A_52 = arith.constant 0 : i32
      %dma_wait3A_53 = tpu.memref_slice %arg16[%add3A_7, %dma_wait3A_52] : memref<10000x128xf32, #tpu.memory_space<vmem_shared>> -> memref<128x128xf32, #tpu.memory_space<vmem_shared>>
      %dma_wait3A_54 = arith.constant 0 : i32
      %dma_wait3A_55 = arith.constant 0 : i32
      %dma_wait3A_56 = tpu.memref_slice %arg10[%dma_wait3A_54, %dma_wait3A_55] : memref<128x128xf32, #tpu.memory_space<vmem>> -> memref<128x128xf32, #tpu.memory_space<vmem>>
      tpu.wait_dma2 semaphore(%run_scoped3A : memref<!tpu.dma_semaphore, #tpu.memory_space<semaphore_mem>>) src(%dma_wait3A_56 : memref<128x128xf32, #tpu.memory_space<vmem>>) dst(%dma_wait3A_53 : memref<128x128xf32, #tpu.memory_space<vmem_shared>>)
      tpu.yield
    }) : () -> ()
    %mul3A_8 = arith.constant 624 : i32
    %mul3A_9 = arith.muli %arg1, %mul3A_8 : i32
    %add3A_10 = arith.constant 256 : i32
    %add3A_11 = arith.addi %mul3A_9, %add3A_10 : i32
    "tpu.region"() ({
      %run_scoped3A = tpu.sem_alloc : memref<!tpu.dma_semaphore, #tpu.memory_space<semaphore_mem>>
      %dma_start3A = arith.constant 0 : i32
      %dma_start3A_39 = arith.constant 0 : i32
      %dma_start3A_40 = tpu.memref_slice %arg10[%dma_start3A, %dma_start3A_39] : memref<128x128xf32, #tpu.memory_space<vmem>> -> memref<128x128xf32, #tpu.memory_space<vmem>>
      %dma_start3A_41 = arith.constant 0 : i32
      %dma_start3A_42 = tpu.memref_slice %arg16[%add3A_11, %dma_start3A_41] : memref<10000x128xf32, #tpu.memory_space<vmem_shared>> -> memref<128x128xf32, #tpu.memory_space<vmem_shared>>
      %dma_start3A_43 = arith.constant 0 : i32
      %dma_start3A_44 = tpu.memref_slice %arg16[%add3A_11, %dma_start3A_43] : memref<10000x128xf32, #tpu.memory_space<vmem_shared>> -> memref<128x128xf32, #tpu.memory_space<vmem_shared>>
      %dma_start3A_45 = arith.constant 0 : i32
      %dma_start3A_46 = arith.constant 0 : i32
      %dma_start3A_47 = tpu.memref_slice %arg10[%dma_start3A_45, %dma_start3A_46] : memref<128x128xf32, #tpu.memory_space<vmem>> -> memref<128x128xf32, #tpu.memory_space<vmem>>
      tpu.enqueue_dma source(%dma_start3A_47 : memref<128x128xf32, #tpu.memory_space<vmem>>) target(%dma_start3A_44 : memref<128x128xf32, #tpu.memory_space<vmem_shared>>) target_semaphore(%run_scoped3A : memref<!tpu.dma_semaphore, #tpu.memory_space<semaphore_mem>>)
      %dma_wait3A = arith.constant 0 : i32
      %dma_wait3A_48 = arith.constant 0 : i32
      %dma_wait3A_49 = tpu.memref_slice %arg10[%dma_wait3A, %dma_wait3A_48] : memref<128x128xf32, #tpu.memory_space<vmem>> -> memref<128x128xf32, #tpu.memory_space<vmem>>
      %dma_wait3A_50 = arith.constant 0 : i32
      %dma_wait3A_51 = tpu.memref_slice %arg16[%add3A_11, %dma_wait3A_50] : memref<10000x128xf32, #tpu.memory_space<vmem_shared>> -> memref<128x128xf32, #tpu.memory_space<vmem_shared>>
      %dma_wait3A_52 = arith.constant 0 : i32
      %dma_wait3A_53 = tpu.memref_slice %arg16[%add3A_11, %dma_wait3A_52] : memref<10000x128xf32, #tpu.memory_space<vmem_shared>> -> memref<128x128xf32, #tpu.memory_space<vmem_shared>>
      %dma_wait3A_54 = arith.constant 0 : i32
      %dma_wait3A_55 = arith.constant 0 : i32
      %dma_wait3A_56 = tpu.memref_slice %arg10[%dma_wait3A_54, %dma_wait3A_55] : memref<128x128xf32, #tpu.memory_space<vmem>> -> memref<128x128xf32, #tpu.memory_space<vmem>>
      tpu.wait_dma2 semaphore(%run_scoped3A : memref<!tpu.dma_semaphore, #tpu.memory_space<semaphore_mem>>) src(%dma_wait3A_56 : memref<128x128xf32, #tpu.memory_space<vmem>>) dst(%dma_wait3A_53 : memref<128x128xf32, #tpu.memory_space<vmem_shared>>)
      tpu.yield
    }) : () -> ()
    %mul3A_12 = arith.constant 624 : i32
    %mul3A_13 = arith.muli %arg1, %mul3A_12 : i32
    %add3A_14 = arith.constant 384 : i32
    %add3A_15 = arith.addi %mul3A_13, %add3A_14 : i32
    "tpu.region"() ({
      %run_scoped3A = tpu.sem_alloc : memref<!tpu.dma_semaphore, #tpu.memory_space<semaphore_mem>>
      %dma_start3A = arith.constant 0 : i32
      %dma_start3A_39 = arith.constant 0 : i32
      %dma_start3A_40 = tpu.memref_slice %arg10[%dma_start3A, %dma_start3A_39] : memref<128x128xf32, #tpu.memory_space<vmem>> -> memref<128x128xf32, #tpu.memory_space<vmem>>
      %dma_start3A_41 = arith.constant 0 : i32
      %dma_start3A_42 = tpu.memref_slice %arg16[%add3A_15, %dma_start3A_41] : memref<10000x128xf32, #tpu.memory_space<vmem_shared>> -> memref<128x128xf32, #tpu.memory_space<vmem_shared>>
      %dma_start3A_43 = arith.constant 0 : i32
      %dma_start3A_44 = tpu.memref_slice %arg16[%add3A_15, %dma_start3A_43] : memref<10000x128xf32, #tpu.memory_space<vmem_shared>> -> memref<128x128xf32, #tpu.memory_space<vmem_shared>>
      %dma_start3A_45 = arith.constant 0 : i32
      %dma_start3A_46 = arith.constant 0 : i32
      %dma_start3A_47 = tpu.memref_slice %arg10[%dma_start3A_45, %dma_start3A_46] : memref<128x128xf32, #tpu.memory_space<vmem>> -> memref<128x128xf32, #tpu.memory_space<vmem>>
      tpu.enqueue_dma source(%dma_start3A_47 : memref<128x128xf32, #tpu.memory_space<vmem>>) target(%dma_start3A_44 : memref<128x128xf32, #tpu.memory_space<vmem_shared>>) target_semaphore(%run_scoped3A : memref<!tpu.dma_semaphore, #tpu.memory_space<semaphore_mem>>)
      %dma_wait3A = arith.constant 0 : i32
      %dma_wait3A_48 = arith.constant 0 : i32
      %dma_wait3A_49 = tpu.memref_slice %arg10[%dma_wait3A, %dma_wait3A_48] : memref<128x128xf32, #tpu.memory_space<vmem>> -> memref<128x128xf32, #tpu.memory_space<vmem>>
      %dma_wait3A_50 = arith.constant 0 : i32
      %dma_wait3A_51 = tpu.memref_slice %arg16[%add3A_15, %dma_wait3A_50] : memref<10000x128xf32, #tpu.memory_space<vmem_shared>> -> memref<128x128xf32, #tpu.memory_space<vmem_shared>>
      %dma_wait3A_52 = arith.constant 0 : i32
      %dma_wait3A_53 = tpu.memref_slice %arg16[%add3A_15, %dma_wait3A_52] : memref<10000x128xf32, #tpu.memory_space<vmem_shared>> -> memref<128x128xf32, #tpu.memory_space<vmem_shared>>
      %dma_wait3A_54 = arith.constant 0 : i32
      %dma_wait3A_55 = arith.constant 0 : i32
      %dma_wait3A_56 = tpu.memref_slice %arg10[%dma_wait3A_54, %dma_wait3A_55] : memref<128x128xf32, #tpu.memory_space<vmem>> -> memref<128x128xf32, #tpu.memory_space<vmem>>
      tpu.wait_dma2 semaphore(%run_scoped3A : memref<!tpu.dma_semaphore, #tpu.memory_space<semaphore_mem>>) src(%dma_wait3A_56 : memref<128x128xf32, #tpu.memory_space<vmem>>) dst(%dma_wait3A_53 : memref<128x128xf32, #tpu.memory_space<vmem_shared>>)
      tpu.yield
    }) : () -> ()
    %mul3A_16 = arith.constant 624 : i32
    %mul3A_17 = arith.muli %arg1, %mul3A_16 : i32
    %add3A_18 = arith.constant 512 : i32
    %add3A_19 = arith.addi %mul3A_17, %add3A_18 : i32
    "tpu.region"() ({
      %run_scoped3A = tpu.sem_alloc : memref<!tpu.dma_semaphore, #tpu.memory_space<semaphore_mem>>
      %dma_start3A = arith.constant 0 : i32
      %dma_start3A_39 = arith.constant 0 : i32
      %dma_start3A_40 = tpu.memref_slice %arg10[%dma_start3A, %dma_start3A_39] : memref<128x128xf32, #tpu.memory_space<vmem>> -> memref<112x128xf32, #tpu.memory_space<vmem>>
      %dma_start3A_41 = arith.constant 0 : i32
      %dma_start3A_42 = tpu.memref_slice %arg16[%add3A_19, %dma_start3A_41] : memref<10000x128xf32, #tpu.memory_space<vmem_shared>> -> memref<112x128xf32, #tpu.memory_space<vmem_shared>>
      %dma_start3A_43 = arith.constant 0 : i32
      %dma_start3A_44 = tpu.memref_slice %arg16[%add3A_19, %dma_start3A_43] : memref<10000x128xf32, #tpu.memory_space<vmem_shared>> -> memref<112x128xf32, #tpu.memory_space<vmem_shared>>
      %dma_start3A_45 = arith.constant 0 : i32
      %dma_start3A_46 = arith.constant 0 : i32
      %dma_start3A_47 = tpu.memref_slice %arg10[%dma_start3A_45, %dma_start3A_46] : memref<128x128xf32, #tpu.memory_space<vmem>> -> memref<112x128xf32, #tpu.memory_space<vmem>>
      tpu.enqueue_dma source(%dma_start3A_47 : memref<112x128xf32, #tpu.memory_space<vmem>>) target(%dma_start3A_44 : memref<112x128xf32, #tpu.memory_space<vmem_shared>>) target_semaphore(%run_scoped3A : memref<!tpu.dma_semaphore, #tpu.memory_space<semaphore_mem>>)
      %dma_wait3A = arith.constant 0 : i32
      %dma_wait3A_48 = arith.constant 0 : i32
      %dma_wait3A_49 = tpu.memref_slice %arg10[%dma_wait3A, %dma_wait3A_48] : memref<128x128xf32, #tpu.memory_space<vmem>> -> memref<112x128xf32, #tpu.memory_space<vmem>>
      %dma_wait3A_50 = arith.constant 0 : i32
      %dma_wait3A_51 = tpu.memref_slice %arg16[%add3A_19, %dma_wait3A_50] : memref<10000x128xf32, #tpu.memory_space<vmem_shared>> -> memref<112x128xf32, #tpu.memory_space<vmem_shared>>
      %dma_wait3A_52 = arith.constant 0 : i32
      %dma_wait3A_53 = tpu.memref_slice %arg16[%add3A_19, %dma_wait3A_52] : memref<10000x128xf32, #tpu.memory_space<vmem_shared>> -> memref<112x128xf32, #tpu.memory_space<vmem_shared>>
      %dma_wait3A_54 = arith.constant 0 : i32
      %dma_wait3A_55 = arith.constant 0 : i32
      %dma_wait3A_56 = tpu.memref_slice %arg10[%dma_wait3A_54, %dma_wait3A_55] : memref<128x128xf32, #tpu.memory_space<vmem>> -> memref<112x128xf32, #tpu.memory_space<vmem>>
      tpu.wait_dma2 semaphore(%run_scoped3A : memref<!tpu.dma_semaphore, #tpu.memory_space<semaphore_mem>>) src(%dma_wait3A_56 : memref<112x128xf32, #tpu.memory_space<vmem>>) dst(%dma_wait3A_53 : memref<112x128xf32, #tpu.memory_space<vmem_shared>>)
      tpu.yield
    }) : () -> ()
    %eq3A = arith.constant 15 : i32
    %eq3A_20 = arith.cmpi eq, %arg1, %eq3A : i32
    %convert_element_type3A = arith.extui %eq3A_20 : i1 to i32
    %cond3A = arith.constant 0 : i32
    %cond3A_21 = arith.cmpi ne, %convert_element_type3A, %cond3A : i32
    scf.if %cond3A_21 {
      "tpu.region"() ({
        %run_scoped3A = tpu.sem_alloc : memref<!tpu.dma_semaphore, #tpu.memory_space<semaphore_mem>>
        %dma_start3A = arith.constant 0 : i32
        %dma_start3A_39 = arith.constant 0 : i32
        %dma_start3A_40 = tpu.memref_slice %arg10[%dma_start3A, %dma_start3A_39] : memref<128x128xf32, #tpu.memory_space<vmem>> -> memref<16x128xf32, #tpu.memory_space<vmem>>
        %dma_start3A_41 = arith.constant 9984 : i32
        %dma_start3A_42 = arith.constant 0 : i32
        %dma_start3A_43 = tpu.memref_slice %arg16[%dma_start3A_41, %dma_start3A_42] : memref<10000x128xf32, #tpu.memory_space<vmem_shared>> -> memref<16x128xf32, #tpu.memory_space<vmem_shared>>
        %dma_start3A_44 = arith.constant 9984 : i32
        %dma_start3A_45 = arith.constant 0 : i32
        %dma_start3A_46 = tpu.memref_slice %arg16[%dma_start3A_44, %dma_start3A_45] : memref<10000x128xf32, #tpu.memory_space<vmem_shared>> -> memref<16x128xf32, #tpu.memory_space<vmem_shared>>
        %dma_start3A_47 = arith.constant 0 : i32
        %dma_start3A_48 = arith.constant 0 : i32
        %dma_start3A_49 = tpu.memref_slice %arg10[%dma_start3A_47, %dma_start3A_48] : memref<128x128xf32, #tpu.memory_space<vmem>> -> memref<16x128xf32, #tpu.memory_space<vmem>>
        tpu.enqueue_dma source(%dma_start3A_49 : memref<16x128xf32, #tpu.memory_space<vmem>>) target(%dma_start3A_46 : memref<16x128xf32, #tpu.memory_space<vmem_shared>>) target_semaphore(%run_scoped3A : memref<!tpu.dma_semaphore, #tpu.memory_space<semaphore_mem>>)
        %dma_wait3A = arith.constant 0 : i32
        %dma_wait3A_50 = arith.constant 0 : i32
        %dma_wait3A_51 = tpu.memref_slice %arg10[%dma_wait3A, %dma_wait3A_50] : memref<128x128xf32, #tpu.memory_space<vmem>> -> memref<16x128xf32, #tpu.memory_space<vmem>>
        %dma_wait3A_52 = arith.constant 9984 : i32
        %dma_wait3A_53 = arith.constant 0 : i32
        %dma_wait3A_54 = tpu.memref_slice %arg16[%dma_wait3A_52, %dma_wait3A_53] : memref<10000x128xf32, #tpu.memory_space<vmem_shared>> -> memref<16x128xf32, #tpu.memory_space<vmem_shared>>
        %dma_wait3A_55 = arith.constant 9984 : i32
        %dma_wait3A_56 = arith.constant 0 : i32
        %dma_wait3A_57 = tpu.memref_slice %arg16[%dma_wait3A_55, %dma_wait3A_56] : memref<10000x128xf32, #tpu.memory_space<vmem_shared>> -> memref<16x128xf32, #tpu.memory_space<vmem_shared>>
        %dma_wait3A_58 = arith.constant 0 : i32
        %dma_wait3A_59 = arith.constant 0 : i32
        %dma_wait3A_60 = tpu.memref_slice %arg10[%dma_wait3A_58, %dma_wait3A_59] : memref<128x128xf32, #tpu.memory_space<vmem>> -> memref<16x128xf32, #tpu.memory_space<vmem>>
        tpu.wait_dma2 semaphore(%run_scoped3A : memref<!tpu.dma_semaphore, #tpu.memory_space<semaphore_mem>>) src(%dma_wait3A_60 : memref<16x128xf32, #tpu.memory_space<vmem>>) dst(%dma_wait3A_57 : memref<16x128xf32, #tpu.memory_space<vmem_shared>>)
        tpu.yield
      }) : () -> ()
    } else {
    }
    %barrier3A = arith.constant 0 : index
    tpu.barrier barrier_id(%barrier3A)
    %scan3A = arith.constant 0 : i32
    %scan3A_22 = arith.constant 157 : i32
    %scan3A_23 = arith.addi %scan3A, %scan3A_22 : i32
    %scan3A_24 = arith.constant 1 : i32
    scf.for %scan3A_39 = %scan3A to %scan3A_23 step %scan3A_24  : i32 {
      %mul3A_40 = arith.constant 16 : i32
      %mul3A_41 = arith.muli %scan3A_39, %mul3A_40 : i32
      %add3A_42 = arith.addi %arg1, %mul3A_41 : i32
      %lt3A = arith.constant 2500 : i32
      %lt3A_43 = arith.cmpi slt, %add3A_42, %lt3A : i32
      %convert_element_type3A_44 = arith.extui %lt3A_43 : i1 to i32
      %cond3A_45 = arith.constant 0 : i32
      %cond3A_46 = arith.cmpi ne, %convert_element_type3A_44, %cond3A_45 : i32
      scf.if %cond3A_46 {
        %mul3A_47 = arith.constant 2500 : i32
        %mul3A_48 = arith.muli %arg0, %mul3A_47 : i32
        %add3A_49 = arith.addi %mul3A_48, %add3A_42 : i32
        %mul3A_50 = arith.constant 128 : i32
        %mul3A_51 = arith.muli %add3A_49, %mul3A_50 : i32
        %dma_start3A = arith.constant 0 : i32
        %dma_start3A_52 = tpu.memref_slice %arg2[%mul3A_51, %dma_start3A] : memref<640000x128xf32, #tpu.memory_space<hbm>> -> memref<128x128xf32, #tpu.memory_space<hbm>>
        %dma_start3A_53 = arith.constant 0 : i32
        %dma_start3A_54 = tpu.memref_slice %arg2[%mul3A_51, %dma_start3A_53] : memref<640000x128xf32, #tpu.memory_space<hbm>> -> memref<128x128xf32, #tpu.memory_space<hbm>>
        tpu.enqueue_dma source(%dma_start3A_54 : memref<128x128xf32, #tpu.memory_space<hbm>>) target(%arg10 : memref<128x128xf32, #tpu.memory_space<vmem>>) target_semaphore(%arg17 : memref<!tpu.dma_semaphore, #tpu.memory_space<semaphore_mem>>)
        %dma_start3A_55 = tpu.memref_slice %arg5[%mul3A_51] : memref<640000xi32, #tpu.memory_space<hbm>> -> memref<128xi32, #tpu.memory_space<hbm>>
        %dma_start3A_56 = tpu.memref_slice %arg5[%mul3A_51] : memref<640000xi32, #tpu.memory_space<hbm>> -> memref<128xi32, #tpu.memory_space<hbm>>
        tpu.enqueue_dma source(%dma_start3A_56 : memref<128xi32, #tpu.memory_space<hbm>>) target(%arg13 : memref<128xi32, #tpu.memory_space<vmem>>) target_semaphore(%arg18 : memref<!tpu.dma_semaphore, #tpu.memory_space<semaphore_mem>>)
        %dma_start3A_57 = tpu.memref_slice %arg6[%mul3A_51] : memref<640000xi32, #tpu.memory_space<hbm>> -> memref<128xi32, #tpu.memory_space<hbm>>
        %dma_start3A_58 = tpu.memref_slice %arg6[%mul3A_51] : memref<640000xi32, #tpu.memory_space<hbm>> -> memref<128xi32, #tpu.memory_space<hbm>>
        tpu.enqueue_dma source(%dma_start3A_58 : memref<128xi32, #tpu.memory_space<hbm>>) target(%arg14 : memref<128xi32, #tpu.memory_space<vmem>>) target_semaphore(%arg18 : memref<!tpu.dma_semaphore, #tpu.memory_space<semaphore_mem>>)
        %dma_start3A_59 = arith.constant 0 : i32
        %dma_start3A_60 = arith.constant 0 : i32
        %dma_start3A_61 = tpu.memref_slice %arg15[%dma_start3A_59, %dma_start3A_60] : memref<1x128xi32, #tpu.memory_space<vmem>> -> memref<1x128xi32, #tpu.memory_space<vmem>>
        %dma_start3A_62 = tpu.memref_squeeze %dma_start3A_61 : memref<1x128xi32, #tpu.memory_space<vmem>> -> memref<128xi32, #tpu.memory_space<vmem>>
        %dma_start3A_63 = tpu.memref_slice %arg7[%mul3A_51] : memref<640000xi32, #tpu.memory_space<hbm>> -> memref<128xi32, #tpu.memory_space<hbm>>
        %dma_start3A_64 = arith.constant 0 : i32
        %dma_start3A_65 = tpu.memref_slice %arg15[%dma_start3A_59, %dma_start3A_64] : memref<1x128xi32, #tpu.memory_space<vmem>> -> memref<1x128xi32, #tpu.memory_space<vmem>>
        %dma_start3A_66 = tpu.memref_squeeze %dma_start3A_65 : memref<1x128xi32, #tpu.memory_space<vmem>> -> memref<128xi32, #tpu.memory_space<vmem>>
        %dma_start3A_67 = tpu.memref_slice %arg7[%mul3A_51] : memref<640000xi32, #tpu.memory_space<hbm>> -> memref<128xi32, #tpu.memory_space<hbm>>
        tpu.enqueue_dma source(%dma_start3A_67 : memref<128xi32, #tpu.memory_space<hbm>>) target(%dma_start3A_66 : memref<128xi32, #tpu.memory_space<vmem>>) target_semaphore(%arg19 : memref<!tpu.dma_semaphore, #tpu.memory_space<semaphore_mem>>)
        %dma_wait3A = tpu.memref_slice %arg5[%mul3A_51] : memref<640000xi32, #tpu.memory_space<hbm>> -> memref<128xi32, #tpu.memory_space<hbm>>
        %dma_wait3A_68 = tpu.memref_slice %arg5[%mul3A_51] : memref<640000xi32, #tpu.memory_space<hbm>> -> memref<128xi32, #tpu.memory_space<hbm>>
        tpu.wait_dma2 semaphore(%arg18 : memref<!tpu.dma_semaphore, #tpu.memory_space<semaphore_mem>>) src(%dma_wait3A_68 : memref<128xi32, #tpu.memory_space<hbm>>) dst(%arg13 : memref<128xi32, #tpu.memory_space<vmem>>)
        %dma_wait3A_69 = tpu.memref_slice %arg6[%mul3A_51] : memref<640000xi32, #tpu.memory_space<hbm>> -> memref<128xi32, #tpu.memory_space<hbm>>
        %dma_wait3A_70 = tpu.memref_slice %arg6[%mul3A_51] : memref<640000xi32, #tpu.memory_space<hbm>> -> memref<128xi32, #tpu.memory_space<hbm>>
        tpu.wait_dma2 semaphore(%arg18 : memref<!tpu.dma_semaphore, #tpu.memory_space<semaphore_mem>>) src(%dma_wait3A_70 : memref<128xi32, #tpu.memory_space<hbm>>) dst(%arg14 : memref<128xi32, #tpu.memory_space<vmem>>)
        %dma_start3A_71 = arith.constant 0 : i32
        %dma_start3A_72 = arith.constant 0 : i32
        %dma_start3A_73 = tpu.memref_slice %arg11[%dma_start3A_71, %dma_start3A_72] : memref<128x128xf32, #tpu.memory_space<vmem>> -> memref<64x128xf32, #tpu.memory_space<vmem>>
        %dma_start3A_74 = arith.constant 0 : i32
        %dma_start3A_75 = tpu.memref_slice %arg13[%dma_start3A_74] : memref<128xi32, #tpu.memory_space<vmem>> -> memref<64xi32, #tpu.memory_space<vmem>>
        %dma_start3A_76 = arith.constant 0 : i32
        %dma_start3A_77 = arith.constant 0 : i32
        %dma_start3A_78 = tpu.memref_slice %arg3[%dma_start3A_76, %dma_start3A_77] : memref<20000x128xf32, #tpu.memory_space<hbm>> -> memref<20000x128xf32, #tpu.memory_space<hbm>>
        tpu.enqueue_indirect_dma source(%dma_start3A_78 : memref<20000x128xf32, #tpu.memory_space<hbm>>) target(%dma_start3A_73 : memref<64x128xf32, #tpu.memory_space<vmem>>) offsets(%dma_start3A_75 : memref<64xi32, #tpu.memory_space<vmem>>) semaphore(%arg20 : memref<!tpu.dma_semaphore, #tpu.memory_space<semaphore_mem>>)
        %dma_start3A_79 = arith.constant 0 : i32
        %dma_start3A_80 = arith.constant 0 : i32
        %dma_start3A_81 = tpu.memref_slice %arg12[%dma_start3A_79, %dma_start3A_80] : memref<128x128xf32, #tpu.memory_space<vmem>> -> memref<64x128xf32, #tpu.memory_space<vmem>>
        %dma_start3A_82 = arith.constant 0 : i32
        %dma_start3A_83 = tpu.memref_slice %arg14[%dma_start3A_82] : memref<128xi32, #tpu.memory_space<vmem>> -> memref<64xi32, #tpu.memory_space<vmem>>
        %dma_start3A_84 = arith.constant 0 : i32
        %dma_start3A_85 = arith.constant 0 : i32
        %dma_start3A_86 = tpu.memref_slice %arg4[%dma_start3A_84, %dma_start3A_85] : memref<20000x128xf32, #tpu.memory_space<hbm>> -> memref<20000x128xf32, #tpu.memory_space<hbm>>
        tpu.enqueue_indirect_dma source(%dma_start3A_86 : memref<20000x128xf32, #tpu.memory_space<hbm>>) target(%dma_start3A_81 : memref<64x128xf32, #tpu.memory_space<vmem>>) offsets(%dma_start3A_83 : memref<64xi32, #tpu.memory_space<vmem>>) semaphore(%arg20 : memref<!tpu.dma_semaphore, #tpu.memory_space<semaphore_mem>>)
        %dma_start3A_87 = arith.constant 64 : i32
        %dma_start3A_88 = arith.constant 0 : i32
        %dma_start3A_89 = tpu.memref_slice %arg11[%dma_start3A_87, %dma_start3A_88] : memref<128x128xf32, #tpu.memory_space<vmem>> -> memref<64x128xf32, #tpu.memory_space<vmem>>
        %dma_start3A_90 = arith.constant 64 : i32
        %dma_start3A_91 = tpu.memref_slice %arg13[%dma_start3A_90] : memref<128xi32, #tpu.memory_space<vmem>> -> memref<64xi32, #tpu.memory_space<vmem>>
        %dma_start3A_92 = arith.constant 0 : i32
        %dma_start3A_93 = arith.constant 0 : i32
        %dma_start3A_94 = tpu.memref_slice %arg3[%dma_start3A_92, %dma_start3A_93] : memref<20000x128xf32, #tpu.memory_space<hbm>> -> memref<20000x128xf32, #tpu.memory_space<hbm>>
        tpu.enqueue_indirect_dma source(%dma_start3A_94 : memref<20000x128xf32, #tpu.memory_space<hbm>>) target(%dma_start3A_89 : memref<64x128xf32, #tpu.memory_space<vmem>>) offsets(%dma_start3A_91 : memref<64xi32, #tpu.memory_space<vmem>>) semaphore(%arg21 : memref<!tpu.dma_semaphore, #tpu.memory_space<semaphore_mem>>)
        %dma_start3A_95 = arith.constant 64 : i32
        %dma_start3A_96 = arith.constant 0 : i32
        %dma_start3A_97 = tpu.memref_slice %arg12[%dma_start3A_95, %dma_start3A_96] : memref<128x128xf32, #tpu.memory_space<vmem>> -> memref<64x128xf32, #tpu.memory_space<vmem>>
        %dma_start3A_98 = arith.constant 64 : i32
        %dma_start3A_99 = tpu.memref_slice %arg14[%dma_start3A_98] : memref<128xi32, #tpu.memory_space<vmem>> -> memref<64xi32, #tpu.memory_space<vmem>>
        %dma_start3A_100 = arith.constant 0 : i32
        %dma_start3A_101 = arith.constant 0 : i32
        %dma_start3A_102 = tpu.memref_slice %arg4[%dma_start3A_100, %dma_start3A_101] : memref<20000x128xf32, #tpu.memory_space<hbm>> -> memref<20000x128xf32, #tpu.memory_space<hbm>>
        tpu.enqueue_indirect_dma source(%dma_start3A_102 : memref<20000x128xf32, #tpu.memory_space<hbm>>) target(%dma_start3A_97 : memref<64x128xf32, #tpu.memory_space<vmem>>) offsets(%dma_start3A_99 : memref<64xi32, #tpu.memory_space<vmem>>) semaphore(%arg21 : memref<!tpu.dma_semaphore, #tpu.memory_space<semaphore_mem>>)
        %dma_wait3A_103 = arith.constant 0 : i32
        %dma_wait3A_104 = tpu.memref_slice %arg2[%mul3A_51, %dma_wait3A_103] : memref<640000x128xf32, #tpu.memory_space<hbm>> -> memref<128x128xf32, #tpu.memory_space<hbm>>
        %dma_wait3A_105 = arith.constant 0 : i32
        %dma_wait3A_106 = tpu.memref_slice %arg2[%mul3A_51, %dma_wait3A_105] : memref<640000x128xf32, #tpu.memory_space<hbm>> -> memref<128x128xf32, #tpu.memory_space<hbm>>
        tpu.wait_dma2 semaphore(%arg17 : memref<!tpu.dma_semaphore, #tpu.memory_space<semaphore_mem>>) src(%dma_wait3A_106 : memref<128x128xf32, #tpu.memory_space<hbm>>) dst(%arg10 : memref<128x128xf32, #tpu.memory_space<vmem>>)
        %dma_wait3A_107 = arith.constant 0 : i32
        %dma_wait3A_108 = arith.constant 0 : i32
        %dma_wait3A_109 = tpu.memref_slice %arg11[%dma_wait3A_107, %dma_wait3A_108] : memref<128x128xf32, #tpu.memory_space<vmem>> -> memref<64x128xf32, #tpu.memory_space<vmem>>
        %dma_wait3A_110 = arith.constant 0 : i32
        %dma_wait3A_111 = tpu.memref_slice %arg13[%dma_wait3A_110] : memref<128xi32, #tpu.memory_space<vmem>> -> memref<64xi32, #tpu.memory_space<vmem>>
        %dma_wait3A_112 = arith.constant 0 : i32
        %dma_wait3A_113 = arith.constant 0 : i32
        %dma_wait3A_114 = tpu.memref_slice %arg3[%dma_wait3A_112, %dma_wait3A_113] : memref<20000x128xf32, #tpu.memory_space<hbm>> -> memref<20000x128xf32, #tpu.memory_space<hbm>>
        tpu.wait_indirect_dma semaphore(%arg20 : memref<!tpu.dma_semaphore, #tpu.memory_space<semaphore_mem>>) src(%dma_wait3A_114 : memref<20000x128xf32, #tpu.memory_space<hbm>>) dst(%dma_wait3A_109 : memref<64x128xf32, #tpu.memory_space<vmem>>)
        %dma_wait3A_115 = arith.constant 0 : i32
        %dma_wait3A_116 = arith.constant 0 : i32
        %dma_wait3A_117 = tpu.memref_slice %arg12[%dma_wait3A_115, %dma_wait3A_116] : memref<128x128xf32, #tpu.memory_space<vmem>> -> memref<64x128xf32, #tpu.memory_space<vmem>>
        %dma_wait3A_118 = arith.constant 0 : i32
        %dma_wait3A_119 = tpu.memref_slice %arg14[%dma_wait3A_118] : memref<128xi32, #tpu.memory_space<vmem>> -> memref<64xi32, #tpu.memory_space<vmem>>
        %dma_wait3A_120 = arith.constant 0 : i32
        %dma_wait3A_121 = arith.constant 0 : i32
        %dma_wait3A_122 = tpu.memref_slice %arg4[%dma_wait3A_120, %dma_wait3A_121] : memref<20000x128xf32, #tpu.memory_space<hbm>> -> memref<20000x128xf32, #tpu.memory_space<hbm>>
        tpu.wait_indirect_dma semaphore(%arg20 : memref<!tpu.dma_semaphore, #tpu.memory_space<semaphore_mem>>) src(%dma_wait3A_122 : memref<20000x128xf32, #tpu.memory_space<hbm>>) dst(%dma_wait3A_117 : memref<64x128xf32, #tpu.memory_space<vmem>>)
        %parallel_loop3A_123 = arith.constant 0 : i32
        %parallel_loop3A_124 = arith.constant 64 : i32
        %parallel_loop3A_125 = arith.constant 1 : i32
        scf.for %parallel_loop3A_196 = %parallel_loop3A_123 to %parallel_loop3A_124 step %parallel_loop3A_125  : i32 {
          %parallel_loop3A_197 = arith.index_cast %parallel_loop3A_196 : i32 to index
          %parallel_loop3A_198 = arith.constant 0 : index
          %parallel_loop3A_199 = tpu.vector_load %arg10[%parallel_loop3A_197, %parallel_loop3A_198] {strides = array<i32>} : memref<128x128xf32, #tpu.memory_space<vmem>>, vector<1x16xf32>,
          %parallel_loop3A_200 = vector.shape_cast %parallel_loop3A_199 : vector<1x16xf32> to vector<16xf32>
          %parallel_loop3A_201 = arith.index_cast %parallel_loop3A_196 : i32 to index
          %parallel_loop3A_202 = arith.constant 0 : index
          %parallel_loop3A_203 = tpu.vector_load %arg11[%parallel_loop3A_201, %parallel_loop3A_202] {strides = array<i32>} : memref<128x128xf32, #tpu.memory_space<vmem>>, vector<1x16xf32>,
          %parallel_loop3A_204 = vector.shape_cast %parallel_loop3A_203 : vector<1x16xf32> to vector<16xf32>
          %parallel_loop3A_205 = arith.addf %parallel_loop3A_200, %parallel_loop3A_204 : vector<16xf32>
          %parallel_loop3A_206 = arith.index_cast %parallel_loop3A_196 : i32 to index
          %parallel_loop3A_207 = arith.constant 0 : index
          %parallel_loop3A_208 = tpu.vector_load %arg12[%parallel_loop3A_206, %parallel_loop3A_207] {strides = array<i32>} : memref<128x128xf32, #tpu.memory_space<vmem>>, vector<1x16xf32>,
          %parallel_loop3A_209 = vector.shape_cast %parallel_loop3A_208 : vector<1x16xf32> to vector<16xf32>
          %parallel_loop3A_210 = arith.addf %parallel_loop3A_205, %parallel_loop3A_209 : vector<16xf32>
          %parallel_loop3A_211 = arith.constant 0.000000e+00 : f32
          %parallel_loop3A_212 = vector.broadcast %parallel_loop3A_211 : f32 to vector<16xf32>
          %parallel_loop3A_213 = arith.maximumf %parallel_loop3A_210, %parallel_loop3A_212 : vector<16xf32>
          %parallel_loop3A_214 = arith.index_cast %parallel_loop3A_196 : i32 to index
          %parallel_loop3A_215 = arith.constant 0 : index
          %parallel_loop3A_216 = tpu.vector_load %arg10[%parallel_loop3A_214, %parallel_loop3A_215] {strides = array<i32>} : memref<128x128xf32, #tpu.memory_space<vmem>>, vector<1x16xf32>,
          %parallel_loop3A_217 = vector.shape_cast %parallel_loop3A_216 : vector<1x16xf32> to vector<16xf32>
          %parallel_loop3A_218 = vector.shape_cast %parallel_loop3A_213 : vector<16xf32> to vector<1x16xf32>
          tpu.vector_store %arg10[%parallel_loop3A_214, %parallel_loop3A_215], %parallel_loop3A_218 {strides = array<i32>} : memref<128x128xf32, #tpu.memory_space<vmem>>, vector<1x16xf32>,
          %parallel_loop3A_219 = arith.index_cast %parallel_loop3A_196 : i32 to index
          %parallel_loop3A_220 = arith.constant 16 : index
          %parallel_loop3A_221 = tpu.vector_load %arg10[%parallel_loop3A_219, %parallel_loop3A_220] {strides = array<i32>} : memref<128x128xf32, #tpu.memory_space<vmem>>, vector<1x16xf32>,
          %parallel_loop3A_222 = vector.shape_cast %parallel_loop3A_221 : vector<1x16xf32> to vector<16xf32>
          %parallel_loop3A_223 = arith.index_cast %parallel_loop3A_196 : i32 to index
          %parallel_loop3A_224 = arith.constant 16 : index
          %parallel_loop3A_225 = tpu.vector_load %arg11[%parallel_loop3A_223, %parallel_loop3A_224] {strides = array<i32>} : memref<128x128xf32, #tpu.memory_space<vmem>>, vector<1x16xf32>,
          %parallel_loop3A_226 = vector.shape_cast %parallel_loop3A_225 : vector<1x16xf32> to vector<16xf32>
          %parallel_loop3A_227 = arith.addf %parallel_loop3A_222, %parallel_loop3A_226 : vector<16xf32>
          %parallel_loop3A_228 = arith.index_cast %parallel_loop3A_196 : i32 to index
          %parallel_loop3A_229 = arith.constant 16 : index
          %parallel_loop3A_230 = tpu.vector_load %arg12[%parallel_loop3A_228, %parallel_loop3A_229] {strides = array<i32>} : memref<128x128xf32, #tpu.memory_space<vmem>>, vector<1x16xf32>,
          %parallel_loop3A_231 = vector.shape_cast %parallel_loop3A_230 : vector<1x16xf32> to vector<16xf32>
          %parallel_loop3A_232 = arith.addf %parallel_loop3A_227, %parallel_loop3A_231 : vector<16xf32>
          %parallel_loop3A_233 = arith.constant 0.000000e+00 : f32
          %parallel_loop3A_234 = vector.broadcast %parallel_loop3A_233 : f32 to vector<16xf32>
          %parallel_loop3A_235 = arith.maximumf %parallel_loop3A_232, %parallel_loop3A_234 : vector<16xf32>
          %parallel_loop3A_236 = arith.index_cast %parallel_loop3A_196 : i32 to index
          %parallel_loop3A_237 = arith.constant 16 : index
          %parallel_loop3A_238 = tpu.vector_load %arg10[%parallel_loop3A_236, %parallel_loop3A_237] {strides = array<i32>} : memref<128x128xf32, #tpu.memory_space<vmem>>, vector<1x16xf32>,
          %parallel_loop3A_239 = vector.shape_cast %parallel_loop3A_238 : vector<1x16xf32> to vector<16xf32>
          %parallel_loop3A_240 = vector.shape_cast %parallel_loop3A_235 : vector<16xf32> to vector<1x16xf32>
          tpu.vector_store %arg10[%parallel_loop3A_236, %parallel_loop3A_237], %parallel_loop3A_240 {strides = array<i32>} : memref<128x128xf32, #tpu.memory_space<vmem>>, vector<1x16xf32>,
          %parallel_loop3A_241 = arith.index_cast %parallel_loop3A_196 : i32 to index
          %parallel_loop3A_242 = arith.constant 32 : index
          %parallel_loop3A_243 = tpu.vector_load %arg10[%parallel_loop3A_241, %parallel_loop3A_242] {strides = array<i32>} : memref<128x128xf32, #tpu.memory_space<vmem>>, vector<1x16xf32>,
          %parallel_loop3A_244 = vector.shape_cast %parallel_loop3A_243 : vector<1x16xf32> to vector<16xf32>
          %parallel_loop3A_245 = arith.index_cast %parallel_loop3A_196 : i32 to index
          %parallel_loop3A_246 = arith.constant 32 : index
          %parallel_loop3A_247 = tpu.vector_load %arg11[%parallel_loop3A_245, %parallel_loop3A_246] {strides = array<i32>} : memref<128x128xf32, #tpu.memory_space<vmem>>, vector<1x16xf32>,
          %parallel_loop3A_248 = vector.shape_cast %parallel_loop3A_247 : vector<1x16xf32> to vector<16xf32>
          %parallel_loop3A_249 = arith.addf %parallel_loop3A_244, %parallel_loop3A_248 : vector<16xf32>
          %parallel_loop3A_250 = arith.index_cast %parallel_loop3A_196 : i32 to index
          %parallel_loop3A_251 = arith.constant 32 : index
          %parallel_loop3A_252 = tpu.vector_load %arg12[%parallel_loop3A_250, %parallel_loop3A_251] {strides = array<i32>} : memref<128x128xf32, #tpu.memory_space<vmem>>, vector<1x16xf32>,
          %parallel_loop3A_253 = vector.shape_cast %parallel_loop3A_252 : vector<1x16xf32> to vector<16xf32>
          %parallel_loop3A_254 = arith.addf %parallel_loop3A_249, %parallel_loop3A_253 : vector<16xf32>
          %parallel_loop3A_255 = arith.constant 0.000000e+00 : f32
          %parallel_loop3A_256 = vector.broadcast %parallel_loop3A_255 : f32 to vector<16xf32>
          %parallel_loop3A_257 = arith.maximumf %parallel_loop3A_254, %parallel_loop3A_256 : vector<16xf32>
          %parallel_loop3A_258 = arith.index_cast %parallel_loop3A_196 : i32 to index
          %parallel_loop3A_259 = arith.constant 32 : index
          %parallel_loop3A_260 = tpu.vector_load %arg10[%parallel_loop3A_258, %parallel_loop3A_259] {strides = array<i32>} : memref<128x128xf32, #tpu.memory_space<vmem>>, vector<1x16xf32>,
          %parallel_loop3A_261 = vector.shape_cast %parallel_loop3A_260 : vector<1x16xf32> to vector<16xf32>
          %parallel_loop3A_262 = vector.shape_cast %parallel_loop3A_257 : vector<16xf32> to vector<1x16xf32>
          tpu.vector_store %arg10[%parallel_loop3A_258, %parallel_loop3A_259], %parallel_loop3A_262 {strides = array<i32>} : memref<128x128xf32, #tpu.memory_space<vmem>>, vector<1x16xf32>,
          %parallel_loop3A_263 = arith.index_cast %parallel_loop3A_196 : i32 to index
          %parallel_loop3A_264 = arith.constant 48 : index
          %parallel_loop3A_265 = tpu.vector_load %arg10[%parallel_loop3A_263, %parallel_loop3A_264] {strides = array<i32>} : memref<128x128xf32, #tpu.memory_space<vmem>>, vector<1x16xf32>,
          %parallel_loop3A_266 = vector.shape_cast %parallel_loop3A_265 : vector<1x16xf32> to vector<16xf32>
          %parallel_loop3A_267 = arith.index_cast %parallel_loop3A_196 : i32 to index
          %parallel_loop3A_268 = arith.constant 48 : index
          %parallel_loop3A_269 = tpu.vector_load %arg11[%parallel_loop3A_267, %parallel_loop3A_268] {strides = array<i32>} : memref<128x128xf32, #tpu.memory_space<vmem>>, vector<1x16xf32>,
          %parallel_loop3A_270 = vector.shape_cast %parallel_loop3A_269 : vector<1x16xf32> to vector<16xf32>
          %parallel_loop3A_271 = arith.addf %parallel_loop3A_266, %parallel_loop3A_270 : vector<16xf32>
          %parallel_loop3A_272 = arith.index_cast %parallel_loop3A_196 : i32 to index
          %parallel_loop3A_273 = arith.constant 48 : index
          %parallel_loop3A_274 = tpu.vector_load %arg12[%parallel_loop3A_272, %parallel_loop3A_273] {strides = array<i32>} : memref<128x128xf32, #tpu.memory_space<vmem>>, vector<1x16xf32>,
          %parallel_loop3A_275 = vector.shape_cast %parallel_loop3A_274 : vector<1x16xf32> to vector<16xf32>
          %parallel_loop3A_276 = arith.addf %parallel_loop3A_271, %parallel_loop3A_275 : vector<16xf32>
          %parallel_loop3A_277 = arith.constant 0.000000e+00 : f32
          %parallel_loop3A_278 = vector.broadcast %parallel_loop3A_277 : f32 to vector<16xf32>
          %parallel_loop3A_279 = arith.maximumf %parallel_loop3A_276, %parallel_loop3A_278 : vector<16xf32>
          %parallel_loop3A_280 = arith.index_cast %parallel_loop3A_196 : i32 to index
          %parallel_loop3A_281 = arith.constant 48 : index
          %parallel_loop3A_282 = tpu.vector_load %arg10[%parallel_loop3A_280, %parallel_loop3A_281] {strides = array<i32>} : memref<128x128xf32, #tpu.memory_space<vmem>>, vector<1x16xf32>,
          %parallel_loop3A_283 = vector.shape_cast %parallel_loop3A_282 : vector<1x16xf32> to vector<16xf32>
          %parallel_loop3A_284 = vector.shape_cast %parallel_loop3A_279 : vector<16xf32> to vector<1x16xf32>
          tpu.vector_store %arg10[%parallel_loop3A_280, %parallel_loop3A_281], %parallel_loop3A_284 {strides = array<i32>} : memref<128x128xf32, #tpu.memory_space<vmem>>, vector<1x16xf32>,
          %parallel_loop3A_285 = arith.index_cast %parallel_loop3A_196 : i32 to index
          %parallel_loop3A_286 = arith.constant 64 : index
          %parallel_loop3A_287 = tpu.vector_load %arg10[%parallel_loop3A_285, %parallel_loop3A_286] {strides = array<i32>} : memref<128x128xf32, #tpu.memory_space<vmem>>, vector<1x16xf32>,
          %parallel_loop3A_288 = vector.shape_cast %parallel_loop3A_287 : vector<1x16xf32> to vector<16xf32>
          %parallel_loop3A_289 = arith.index_cast %parallel_loop3A_196 : i32 to index
          %parallel_loop3A_290 = arith.constant 64 : index
          %parallel_loop3A_291 = tpu.vector_load %arg11[%parallel_loop3A_289, %parallel_loop3A_290] {strides = array<i32>} : memref<128x128xf32, #tpu.memory_space<vmem>>, vector<1x16xf32>,
          %parallel_loop3A_292 = vector.shape_cast %parallel_loop3A_291 : vector<1x16xf32> to vector<16xf32>
          %parallel_loop3A_293 = arith.addf %parallel_loop3A_288, %parallel_loop3A_292 : vector<16xf32>
          %parallel_loop3A_294 = arith.index_cast %parallel_loop3A_196 : i32 to index
          %parallel_loop3A_295 = arith.constant 64 : index
          %parallel_loop3A_296 = tpu.vector_load %arg12[%parallel_loop3A_294, %parallel_loop3A_295] {strides = array<i32>} : memref<128x128xf32, #tpu.memory_space<vmem>>, vector<1x16xf32>,
          %parallel_loop3A_297 = vector.shape_cast %parallel_loop3A_296 : vector<1x16xf32> to vector<16xf32>
          %parallel_loop3A_298 = arith.addf %parallel_loop3A_293, %parallel_loop3A_297 : vector<16xf32>
          %parallel_loop3A_299 = arith.constant 0.000000e+00 : f32
          %parallel_loop3A_300 = vector.broadcast %parallel_loop3A_299 : f32 to vector<16xf32>
          %parallel_loop3A_301 = arith.maximumf %parallel_loop3A_298, %parallel_loop3A_300 : vector<16xf32>
          %parallel_loop3A_302 = arith.index_cast %parallel_loop3A_196 : i32 to index
          %parallel_loop3A_303 = arith.constant 64 : index
          %parallel_loop3A_304 = tpu.vector_load %arg10[%parallel_loop3A_302, %parallel_loop3A_303] {strides = array<i32>} : memref<128x128xf32, #tpu.memory_space<vmem>>, vector<1x16xf32>,
          %parallel_loop3A_305 = vector.shape_cast %parallel_loop3A_304 : vector<1x16xf32> to vector<16xf32>
          %parallel_loop3A_306 = vector.shape_cast %parallel_loop3A_301 : vector<16xf32> to vector<1x16xf32>
          tpu.vector_store %arg10[%parallel_loop3A_302, %parallel_loop3A_303], %parallel_loop3A_306 {strides = array<i32>} : memref<128x128xf32, #tpu.memory_space<vmem>>, vector<1x16xf32>,
          %parallel_loop3A_307 = arith.index_cast %parallel_loop3A_196 : i32 to index
          %parallel_loop3A_308 = arith.constant 80 : index
          %parallel_loop3A_309 = tpu.vector_load %arg10[%parallel_loop3A_307, %parallel_loop3A_308] {strides = array<i32>} : memref<128x128xf32, #tpu.memory_space<vmem>>, vector<1x16xf32>,
          %parallel_loop3A_310 = vector.shape_cast %parallel_loop3A_309 : vector<1x16xf32> to vector<16xf32>
          %parallel_loop3A_311 = arith.index_cast %parallel_loop3A_196 : i32 to index
          %parallel_loop3A_312 = arith.constant 80 : index
          %parallel_loop3A_313 = tpu.vector_load %arg11[%parallel_loop3A_311, %parallel_loop3A_312] {strides = array<i32>} : memref<128x128xf32, #tpu.memory_space<vmem>>, vector<1x16xf32>,
          %parallel_loop3A_314 = vector.shape_cast %parallel_loop3A_313 : vector<1x16xf32> to vector<16xf32>
          %parallel_loop3A_315 = arith.addf %parallel_loop3A_310, %parallel_loop3A_314 : vector<16xf32>
          %parallel_loop3A_316 = arith.index_cast %parallel_loop3A_196 : i32 to index
          %parallel_loop3A_317 = arith.constant 80 : index
          %parallel_loop3A_318 = tpu.vector_load %arg12[%parallel_loop3A_316, %parallel_loop3A_317] {strides = array<i32>} : memref<128x128xf32, #tpu.memory_space<vmem>>, vector<1x16xf32>,
          %parallel_loop3A_319 = vector.shape_cast %parallel_loop3A_318 : vector<1x16xf32> to vector<16xf32>
          %parallel_loop3A_320 = arith.addf %parallel_loop3A_315, %parallel_loop3A_319 : vector<16xf32>
          %parallel_loop3A_321 = arith.constant 0.000000e+00 : f32
          %parallel_loop3A_322 = vector.broadcast %parallel_loop3A_321 : f32 to vector<16xf32>
          %parallel_loop3A_323 = arith.maximumf %parallel_loop3A_320, %parallel_loop3A_322 : vector<16xf32>
          %parallel_loop3A_324 = arith.index_cast %parallel_loop3A_196 : i32 to index
          %parallel_loop3A_325 = arith.constant 80 : index
          %parallel_loop3A_326 = tpu.vector_load %arg10[%parallel_loop3A_324, %parallel_loop3A_325] {strides = array<i32>} : memref<128x128xf32, #tpu.memory_space<vmem>>, vector<1x16xf32>,
          %parallel_loop3A_327 = vector.shape_cast %parallel_loop3A_326 : vector<1x16xf32> to vector<16xf32>
          %parallel_loop3A_328 = vector.shape_cast %parallel_loop3A_323 : vector<16xf32> to vector<1x16xf32>
          tpu.vector_store %arg10[%parallel_loop3A_324, %parallel_loop3A_325], %parallel_loop3A_328 {strides = array<i32>} : memref<128x128xf32, #tpu.memory_space<vmem>>, vector<1x16xf32>,
          %parallel_loop3A_329 = arith.index_cast %parallel_loop3A_196 : i32 to index
          %parallel_loop3A_330 = arith.constant 96 : index
          %parallel_loop3A_331 = tpu.vector_load %arg10[%parallel_loop3A_329, %parallel_loop3A_330] {strides = array<i32>} : memref<128x128xf32, #tpu.memory_space<vmem>>, vector<1x16xf32>,
          %parallel_loop3A_332 = vector.shape_cast %parallel_loop3A_331 : vector<1x16xf32> to vector<16xf32>
          %parallel_loop3A_333 = arith.index_cast %parallel_loop3A_196 : i32 to index
          %parallel_loop3A_334 = arith.constant 96 : index
          %parallel_loop3A_335 = tpu.vector_load %arg11[%parallel_loop3A_333, %parallel_loop3A_334] {strides = array<i32>} : memref<128x128xf32, #tpu.memory_space<vmem>>, vector<1x16xf32>,
          %parallel_loop3A_336 = vector.shape_cast %parallel_loop3A_335 : vector<1x16xf32> to vector<16xf32>
          %parallel_loop3A_337 = arith.addf %parallel_loop3A_332, %parallel_loop3A_336 : vector<16xf32>
          %parallel_loop3A_338 = arith.index_cast %parallel_loop3A_196 : i32 to index
          %parallel_loop3A_339 = arith.constant 96 : index
          %parallel_loop3A_340 = tpu.vector_load %arg12[%parallel_loop3A_338, %parallel_loop3A_339] {strides = array<i32>} : memref<128x128xf32, #tpu.memory_space<vmem>>, vector<1x16xf32>,
          %parallel_loop3A_341 = vector.shape_cast %parallel_loop3A_340 : vector<1x16xf32> to vector<16xf32>
          %parallel_loop3A_342 = arith.addf %parallel_loop3A_337, %parallel_loop3A_341 : vector<16xf32>
          %parallel_loop3A_343 = arith.constant 0.000000e+00 : f32
          %parallel_loop3A_344 = vector.broadcast %parallel_loop3A_343 : f32 to vector<16xf32>
          %parallel_loop3A_345 = arith.maximumf %parallel_loop3A_342, %parallel_loop3A_344 : vector<16xf32>
          %parallel_loop3A_346 = arith.index_cast %parallel_loop3A_196 : i32 to index
          %parallel_loop3A_347 = arith.constant 96 : index
          %parallel_loop3A_348 = tpu.vector_load %arg10[%parallel_loop3A_346, %parallel_loop3A_347] {strides = array<i32>} : memref<128x128xf32, #tpu.memory_space<vmem>>, vector<1x16xf32>,
          %parallel_loop3A_349 = vector.shape_cast %parallel_loop3A_348 : vector<1x16xf32> to vector<16xf32>
          %parallel_loop3A_350 = vector.shape_cast %parallel_loop3A_345 : vector<16xf32> to vector<1x16xf32>
          tpu.vector_store %arg10[%parallel_loop3A_346, %parallel_loop3A_347], %parallel_loop3A_350 {strides = array<i32>} : memref<128x128xf32, #tpu.memory_space<vmem>>, vector<1x16xf32>,
          %parallel_loop3A_351 = arith.index_cast %parallel_loop3A_196 : i32 to index
          %parallel_loop3A_352 = arith.constant 112 : index
          %parallel_loop3A_353 = tpu.vector_load %arg10[%parallel_loop3A_351, %parallel_loop3A_352] {strides = array<i32>} : memref<128x128xf32, #tpu.memory_space<vmem>>, vector<1x16xf32>,
          %parallel_loop3A_354 = vector.shape_cast %parallel_loop3A_353 : vector<1x16xf32> to vector<16xf32>
          %parallel_loop3A_355 = arith.index_cast %parallel_loop3A_196 : i32 to index
          %parallel_loop3A_356 = arith.constant 112 : index
          %parallel_loop3A_357 = tpu.vector_load %arg11[%parallel_loop3A_355, %parallel_loop3A_356] {strides = array<i32>} : memref<128x128xf32, #tpu.memory_space<vmem>>, vector<1x16xf32>,
          %parallel_loop3A_358 = vector.shape_cast %parallel_loop3A_357 : vector<1x16xf32> to vector<16xf32>
          %parallel_loop3A_359 = arith.addf %parallel_loop3A_354, %parallel_loop3A_358 : vector<16xf32>
          %parallel_loop3A_360 = arith.index_cast %parallel_loop3A_196 : i32 to index
          %parallel_loop3A_361 = arith.constant 112 : index
          %parallel_loop3A_362 = tpu.vector_load %arg12[%parallel_loop3A_360, %parallel_loop3A_361] {strides = array<i32>} : memref<128x128xf32, #tpu.memory_space<vmem>>, vector<1x16xf32>,
          %parallel_loop3A_363 = vector.shape_cast %parallel_loop3A_362 : vector<1x16xf32> to vector<16xf32>
          %parallel_loop3A_364 = arith.addf %parallel_loop3A_359, %parallel_loop3A_363 : vector<16xf32>
          %parallel_loop3A_365 = arith.constant 0.000000e+00 : f32
          %parallel_loop3A_366 = vector.broadcast %parallel_loop3A_365 : f32 to vector<16xf32>
          %parallel_loop3A_367 = arith.maximumf %parallel_loop3A_364, %parallel_loop3A_366 : vector<16xf32>
          %parallel_loop3A_368 = arith.index_cast %parallel_loop3A_196 : i32 to index
          %parallel_loop3A_369 = arith.constant 112 : index
          %parallel_loop3A_370 = tpu.vector_load %arg10[%parallel_loop3A_368, %parallel_loop3A_369] {strides = array<i32>} : memref<128x128xf32, #tpu.memory_space<vmem>>, vector<1x16xf32>,
          %parallel_loop3A_371 = vector.shape_cast %parallel_loop3A_370 : vector<1x16xf32> to vector<16xf32>
          %parallel_loop3A_372 = vector.shape_cast %parallel_loop3A_367 : vector<16xf32> to vector<1x16xf32>
          tpu.vector_store %arg10[%parallel_loop3A_368, %parallel_loop3A_369], %parallel_loop3A_372 {strides = array<i32>} : memref<128x128xf32, #tpu.memory_space<vmem>>, vector<1x16xf32>,
        } {sc.loop_unroll_factor = 4 : i64, sc.parallel_access}
        %dma_start3A_126 = arith.constant 0 : i32
        %dma_start3A_127 = arith.constant 0 : i32
        %dma_start3A_128 = tpu.memref_slice %arg10[%dma_start3A_126, %dma_start3A_127] : memref<128x128xf32, #tpu.memory_space<vmem>> -> memref<64x128xf32, #tpu.memory_space<vmem>>
        %dma_start3A_129 = arith.constant 0 : i32
        %dma_start3A_130 = tpu.memref_slice %arg8[%mul3A_51, %dma_start3A_129] : memref<640000x128xf32, #tpu.memory_space<hbm>> -> memref<64x128xf32, #tpu.memory_space<hbm>>
        %dma_start3A_131 = arith.constant 0 : i32
        %dma_start3A_132 = tpu.memref_slice %arg8[%mul3A_51, %dma_start3A_131] : memref<640000x128xf32, #tpu.memory_space<hbm>> -> memref<64x128xf32, #tpu.memory_space<hbm>>
        %dma_start3A_133 = arith.constant 0 : i32
        %dma_start3A_134 = arith.constant 0 : i32
        %dma_start3A_135 = tpu.memref_slice %arg10[%dma_start3A_133, %dma_start3A_134] : memref<128x128xf32, #tpu.memory_space<vmem>> -> memref<64x128xf32, #tpu.memory_space<vmem>>
        tpu.enqueue_dma source(%dma_start3A_135 : memref<64x128xf32, #tpu.memory_space<vmem>>) target(%dma_start3A_132 : memref<64x128xf32, #tpu.memory_space<hbm>>) target_semaphore(%arg22 : memref<!tpu.dma_semaphore, #tpu.memory_space<semaphore_mem>>)
        %dma_wait3A_136 = arith.constant 64 : i32
        %dma_wait3A_137 = arith.constant 0 : i32
        %dma_wait3A_138 = tpu.memref_slice %arg11[%dma_wait3A_136, %dma_wait3A_137] : memref<128x128xf32, #tpu.memory_space<vmem>> -> memref<64x128xf32, #tpu.memory_space<vmem>>
        %dma_wait3A_139 = arith.constant 64 : i32
        %dma_wait3A_140 = tpu.memref_slice %arg13[%dma_wait3A_139] : memref<128xi32, #tpu.memory_space<vmem>> -> memref<64xi32, #tpu.memory_space<vmem>>
        %dma_wait3A_141 = arith.constant 0 : i32
        %dma_wait3A_142 = arith.constant 0 : i32
        %dma_wait3A_143 = tpu.memref_slice %arg3[%dma_wait3A_141, %dma_wait3A_142] : memref<20000x128xf32, #tpu.memory_space<hbm>> -> memref<20000x128xf32, #tpu.memory_space<hbm>>
        tpu.wait_indirect_dma semaphore(%arg21 : memref<!tpu.dma_semaphore, #tpu.memory_space<semaphore_mem>>) src(%dma_wait3A_143 : memref<20000x128xf32, #tpu.memory_space<hbm>>) dst(%dma_wait3A_138 : memref<64x128xf32, #tpu.memory_space<vmem>>)
        %dma_wait3A_144 = arith.constant 64 : i32
        %dma_wait3A_145 = arith.constant 0 : i32
        %dma_wait3A_146 = tpu.memref_slice %arg12[%dma_wait3A_144, %dma_wait3A_145] : memref<128x128xf32, #tpu.memory_space<vmem>> -> memref<64x128xf32, #tpu.memory_space<vmem>>
        %dma_wait3A_147 = arith.constant 64 : i32
        %dma_wait3A_148 = tpu.memref_slice %arg14[%dma_wait3A_147] : memref<128xi32, #tpu.memory_space<vmem>> -> memref<64xi32, #tpu.memory_space<vmem>>
        %dma_wait3A_149 = arith.constant 0 : i32
        %dma_wait3A_150 = arith.constant 0 : i32
        %dma_wait3A_151 = tpu.memref_slice %arg4[%dma_wait3A_149, %dma_wait3A_150] : memref<20000x128xf32, #tpu.memory_space<hbm>> -> memref<20000x128xf32, #tpu.memory_space<hbm>>
        tpu.wait_indirect_dma semaphore(%arg21 : memref<!tpu.dma_semaphore, #tpu.memory_space<semaphore_mem>>) src(%dma_wait3A_151 : memref<20000x128xf32, #tpu.memory_space<hbm>>) dst(%dma_wait3A_146 : memref<64x128xf32, #tpu.memory_space<vmem>>)
        %parallel_loop3A_152 = arith.constant 64 : i32
        %parallel_loop3A_153 = arith.constant 128 : i32
        %parallel_loop3A_154 = arith.constant 1 : i32
        scf.for %parallel_loop3A_196 = %parallel_loop3A_152 to %parallel_loop3A_153 step %parallel_loop3A_154  : i32 {
          %parallel_loop3A_197 = arith.index_cast %parallel_loop3A_196 : i32 to index
          %parallel_loop3A_198 = arith.constant 0 : index
          %parallel_loop3A_199 = tpu.vector_load %arg10[%parallel_loop3A_197, %parallel_loop3A_198] {strides = array<i32>} : memref<128x128xf32, #tpu.memory_space<vmem>>, vector<1x16xf32>,
          %parallel_loop3A_200 = vector.shape_cast %parallel_loop3A_199 : vector<1x16xf32> to vector<16xf32>
          %parallel_loop3A_201 = arith.index_cast %parallel_loop3A_196 : i32 to index
          %parallel_loop3A_202 = arith.constant 0 : index
          %parallel_loop3A_203 = tpu.vector_load %arg11[%parallel_loop3A_201, %parallel_loop3A_202] {strides = array<i32>} : memref<128x128xf32, #tpu.memory_space<vmem>>, vector<1x16xf32>,
          %parallel_loop3A_204 = vector.shape_cast %parallel_loop3A_203 : vector<1x16xf32> to vector<16xf32>
          %parallel_loop3A_205 = arith.addf %parallel_loop3A_200, %parallel_loop3A_204 : vector<16xf32>
          %parallel_loop3A_206 = arith.index_cast %parallel_loop3A_196 : i32 to index
          %parallel_loop3A_207 = arith.constant 0 : index
          %parallel_loop3A_208 = tpu.vector_load %arg12[%parallel_loop3A_206, %parallel_loop3A_207] {strides = array<i32>} : memref<128x128xf32, #tpu.memory_space<vmem>>, vector<1x16xf32>,
          %parallel_loop3A_209 = vector.shape_cast %parallel_loop3A_208 : vector<1x16xf32> to vector<16xf32>
          %parallel_loop3A_210 = arith.addf %parallel_loop3A_205, %parallel_loop3A_209 : vector<16xf32>
          %parallel_loop3A_211 = arith.constant 0.000000e+00 : f32
          %parallel_loop3A_212 = vector.broadcast %parallel_loop3A_211 : f32 to vector<16xf32>
          %parallel_loop3A_213 = arith.maximumf %parallel_loop3A_210, %parallel_loop3A_212 : vector<16xf32>
          %parallel_loop3A_214 = arith.index_cast %parallel_loop3A_196 : i32 to index
          %parallel_loop3A_215 = arith.constant 0 : index
          %parallel_loop3A_216 = tpu.vector_load %arg10[%parallel_loop3A_214, %parallel_loop3A_215] {strides = array<i32>} : memref<128x128xf32, #tpu.memory_space<vmem>>, vector<1x16xf32>,
          %parallel_loop3A_217 = vector.shape_cast %parallel_loop3A_216 : vector<1x16xf32> to vector<16xf32>
          %parallel_loop3A_218 = vector.shape_cast %parallel_loop3A_213 : vector<16xf32> to vector<1x16xf32>
          tpu.vector_store %arg10[%parallel_loop3A_214, %parallel_loop3A_215], %parallel_loop3A_218 {strides = array<i32>} : memref<128x128xf32, #tpu.memory_space<vmem>>, vector<1x16xf32>,
          %parallel_loop3A_219 = arith.index_cast %parallel_loop3A_196 : i32 to index
          %parallel_loop3A_220 = arith.constant 16 : index
          %parallel_loop3A_221 = tpu.vector_load %arg10[%parallel_loop3A_219, %parallel_loop3A_220] {strides = array<i32>} : memref<128x128xf32, #tpu.memory_space<vmem>>, vector<1x16xf32>,
          %parallel_loop3A_222 = vector.shape_cast %parallel_loop3A_221 : vector<1x16xf32> to vector<16xf32>
          %parallel_loop3A_223 = arith.index_cast %parallel_loop3A_196 : i32 to index
          %parallel_loop3A_224 = arith.constant 16 : index
          %parallel_loop3A_225 = tpu.vector_load %arg11[%parallel_loop3A_223, %parallel_loop3A_224] {strides = array<i32>} : memref<128x128xf32, #tpu.memory_space<vmem>>, vector<1x16xf32>,
          %parallel_loop3A_226 = vector.shape_cast %parallel_loop3A_225 : vector<1x16xf32> to vector<16xf32>
          %parallel_loop3A_227 = arith.addf %parallel_loop3A_222, %parallel_loop3A_226 : vector<16xf32>
          %parallel_loop3A_228 = arith.index_cast %parallel_loop3A_196 : i32 to index
          %parallel_loop3A_229 = arith.constant 16 : index
          %parallel_loop3A_230 = tpu.vector_load %arg12[%parallel_loop3A_228, %parallel_loop3A_229] {strides = array<i32>} : memref<128x128xf32, #tpu.memory_space<vmem>>, vector<1x16xf32>,
          %parallel_loop3A_231 = vector.shape_cast %parallel_loop3A_230 : vector<1x16xf32> to vector<16xf32>
          %parallel_loop3A_232 = arith.addf %parallel_loop3A_227, %parallel_loop3A_231 : vector<16xf32>
          %parallel_loop3A_233 = arith.constant 0.000000e+00 : f32
          %parallel_loop3A_234 = vector.broadcast %parallel_loop3A_233 : f32 to vector<16xf32>
          %parallel_loop3A_235 = arith.maximumf %parallel_loop3A_232, %parallel_loop3A_234 : vector<16xf32>
          %parallel_loop3A_236 = arith.index_cast %parallel_loop3A_196 : i32 to index
          %parallel_loop3A_237 = arith.constant 16 : index
          %parallel_loop3A_238 = tpu.vector_load %arg10[%parallel_loop3A_236, %parallel_loop3A_237] {strides = array<i32>} : memref<128x128xf32, #tpu.memory_space<vmem>>, vector<1x16xf32>,
          %parallel_loop3A_239 = vector.shape_cast %parallel_loop3A_238 : vector<1x16xf32> to vector<16xf32>
          %parallel_loop3A_240 = vector.shape_cast %parallel_loop3A_235 : vector<16xf32> to vector<1x16xf32>
          tpu.vector_store %arg10[%parallel_loop3A_236, %parallel_loop3A_237], %parallel_loop3A_240 {strides = array<i32>} : memref<128x128xf32, #tpu.memory_space<vmem>>, vector<1x16xf32>,
          %parallel_loop3A_241 = arith.index_cast %parallel_loop3A_196 : i32 to index
          %parallel_loop3A_242 = arith.constant 32 : index
          %parallel_loop3A_243 = tpu.vector_load %arg10[%parallel_loop3A_241, %parallel_loop3A_242] {strides = array<i32>} : memref<128x128xf32, #tpu.memory_space<vmem>>, vector<1x16xf32>,
          %parallel_loop3A_244 = vector.shape_cast %parallel_loop3A_243 : vector<1x16xf32> to vector<16xf32>
          %parallel_loop3A_245 = arith.index_cast %parallel_loop3A_196 : i32 to index
          %parallel_loop3A_246 = arith.constant 32 : index
          %parallel_loop3A_247 = tpu.vector_load %arg11[%parallel_loop3A_245, %parallel_loop3A_246] {strides = array<i32>} : memref<128x128xf32, #tpu.memory_space<vmem>>, vector<1x16xf32>,
          %parallel_loop3A_248 = vector.shape_cast %parallel_loop3A_247 : vector<1x16xf32> to vector<16xf32>
          %parallel_loop3A_249 = arith.addf %parallel_loop3A_244, %parallel_loop3A_248 : vector<16xf32>
          %parallel_loop3A_250 = arith.index_cast %parallel_loop3A_196 : i32 to index
          %parallel_loop3A_251 = arith.constant 32 : index
          %parallel_loop3A_252 = tpu.vector_load %arg12[%parallel_loop3A_250, %parallel_loop3A_251] {strides = array<i32>} : memref<128x128xf32, #tpu.memory_space<vmem>>, vector<1x16xf32>,
          %parallel_loop3A_253 = vector.shape_cast %parallel_loop3A_252 : vector<1x16xf32> to vector<16xf32>
          %parallel_loop3A_254 = arith.addf %parallel_loop3A_249, %parallel_loop3A_253 : vector<16xf32>
          %parallel_loop3A_255 = arith.constant 0.000000e+00 : f32
          %parallel_loop3A_256 = vector.broadcast %parallel_loop3A_255 : f32 to vector<16xf32>
          %parallel_loop3A_257 = arith.maximumf %parallel_loop3A_254, %parallel_loop3A_256 : vector<16xf32>
          %parallel_loop3A_258 = arith.index_cast %parallel_loop3A_196 : i32 to index
          %parallel_loop3A_259 = arith.constant 32 : index
          %parallel_loop3A_260 = tpu.vector_load %arg10[%parallel_loop3A_258, %parallel_loop3A_259] {strides = array<i32>} : memref<128x128xf32, #tpu.memory_space<vmem>>, vector<1x16xf32>,
          %parallel_loop3A_261 = vector.shape_cast %parallel_loop3A_260 : vector<1x16xf32> to vector<16xf32>
          %parallel_loop3A_262 = vector.shape_cast %parallel_loop3A_257 : vector<16xf32> to vector<1x16xf32>
          tpu.vector_store %arg10[%parallel_loop3A_258, %parallel_loop3A_259], %parallel_loop3A_262 {strides = array<i32>} : memref<128x128xf32, #tpu.memory_space<vmem>>, vector<1x16xf32>,
          %parallel_loop3A_263 = arith.index_cast %parallel_loop3A_196 : i32 to index
          %parallel_loop3A_264 = arith.constant 48 : index
          %parallel_loop3A_265 = tpu.vector_load %arg10[%parallel_loop3A_263, %parallel_loop3A_264] {strides = array<i32>} : memref<128x128xf32, #tpu.memory_space<vmem>>, vector<1x16xf32>,
          %parallel_loop3A_266 = vector.shape_cast %parallel_loop3A_265 : vector<1x16xf32> to vector<16xf32>
          %parallel_loop3A_267 = arith.index_cast %parallel_loop3A_196 : i32 to index
          %parallel_loop3A_268 = arith.constant 48 : index
          %parallel_loop3A_269 = tpu.vector_load %arg11[%parallel_loop3A_267, %parallel_loop3A_268] {strides = array<i32>} : memref<128x128xf32, #tpu.memory_space<vmem>>, vector<1x16xf32>,
          %parallel_loop3A_270 = vector.shape_cast %parallel_loop3A_269 : vector<1x16xf32> to vector<16xf32>
          %parallel_loop3A_271 = arith.addf %parallel_loop3A_266, %parallel_loop3A_270 : vector<16xf32>
          %parallel_loop3A_272 = arith.index_cast %parallel_loop3A_196 : i32 to index
          %parallel_loop3A_273 = arith.constant 48 : index
          %parallel_loop3A_274 = tpu.vector_load %arg12[%parallel_loop3A_272, %parallel_loop3A_273] {strides = array<i32>} : memref<128x128xf32, #tpu.memory_space<vmem>>, vector<1x16xf32>,
          %parallel_loop3A_275 = vector.shape_cast %parallel_loop3A_274 : vector<1x16xf32> to vector<16xf32>
          %parallel_loop3A_276 = arith.addf %parallel_loop3A_271, %parallel_loop3A_275 : vector<16xf32>
          %parallel_loop3A_277 = arith.constant 0.000000e+00 : f32
          %parallel_loop3A_278 = vector.broadcast %parallel_loop3A_277 : f32 to vector<16xf32>
          %parallel_loop3A_279 = arith.maximumf %parallel_loop3A_276, %parallel_loop3A_278 : vector<16xf32>
          %parallel_loop3A_280 = arith.index_cast %parallel_loop3A_196 : i32 to index
          %parallel_loop3A_281 = arith.constant 48 : index
          %parallel_loop3A_282 = tpu.vector_load %arg10[%parallel_loop3A_280, %parallel_loop3A_281] {strides = array<i32>} : memref<128x128xf32, #tpu.memory_space<vmem>>, vector<1x16xf32>,
          %parallel_loop3A_283 = vector.shape_cast %parallel_loop3A_282 : vector<1x16xf32> to vector<16xf32>
          %parallel_loop3A_284 = vector.shape_cast %parallel_loop3A_279 : vector<16xf32> to vector<1x16xf32>
          tpu.vector_store %arg10[%parallel_loop3A_280, %parallel_loop3A_281], %parallel_loop3A_284 {strides = array<i32>} : memref<128x128xf32, #tpu.memory_space<vmem>>, vector<1x16xf32>,
          %parallel_loop3A_285 = arith.index_cast %parallel_loop3A_196 : i32 to index
          %parallel_loop3A_286 = arith.constant 64 : index
          %parallel_loop3A_287 = tpu.vector_load %arg10[%parallel_loop3A_285, %parallel_loop3A_286] {strides = array<i32>} : memref<128x128xf32, #tpu.memory_space<vmem>>, vector<1x16xf32>,
          %parallel_loop3A_288 = vector.shape_cast %parallel_loop3A_287 : vector<1x16xf32> to vector<16xf32>
          %parallel_loop3A_289 = arith.index_cast %parallel_loop3A_196 : i32 to index
          %parallel_loop3A_290 = arith.constant 64 : index
          %parallel_loop3A_291 = tpu.vector_load %arg11[%parallel_loop3A_289, %parallel_loop3A_290] {strides = array<i32>} : memref<128x128xf32, #tpu.memory_space<vmem>>, vector<1x16xf32>,
          %parallel_loop3A_292 = vector.shape_cast %parallel_loop3A_291 : vector<1x16xf32> to vector<16xf32>
          %parallel_loop3A_293 = arith.addf %parallel_loop3A_288, %parallel_loop3A_292 : vector<16xf32>
          %parallel_loop3A_294 = arith.index_cast %parallel_loop3A_196 : i32 to index
          %parallel_loop3A_295 = arith.constant 64 : index
          %parallel_loop3A_296 = tpu.vector_load %arg12[%parallel_loop3A_294, %parallel_loop3A_295] {strides = array<i32>} : memref<128x128xf32, #tpu.memory_space<vmem>>, vector<1x16xf32>,
          %parallel_loop3A_297 = vector.shape_cast %parallel_loop3A_296 : vector<1x16xf32> to vector<16xf32>
          %parallel_loop3A_298 = arith.addf %parallel_loop3A_293, %parallel_loop3A_297 : vector<16xf32>
          %parallel_loop3A_299 = arith.constant 0.000000e+00 : f32
          %parallel_loop3A_300 = vector.broadcast %parallel_loop3A_299 : f32 to vector<16xf32>
          %parallel_loop3A_301 = arith.maximumf %parallel_loop3A_298, %parallel_loop3A_300 : vector<16xf32>
          %parallel_loop3A_302 = arith.index_cast %parallel_loop3A_196 : i32 to index
          %parallel_loop3A_303 = arith.constant 64 : index
          %parallel_loop3A_304 = tpu.vector_load %arg10[%parallel_loop3A_302, %parallel_loop3A_303] {strides = array<i32>} : memref<128x128xf32, #tpu.memory_space<vmem>>, vector<1x16xf32>,
          %parallel_loop3A_305 = vector.shape_cast %parallel_loop3A_304 : vector<1x16xf32> to vector<16xf32>
          %parallel_loop3A_306 = vector.shape_cast %parallel_loop3A_301 : vector<16xf32> to vector<1x16xf32>
          tpu.vector_store %arg10[%parallel_loop3A_302, %parallel_loop3A_303], %parallel_loop3A_306 {strides = array<i32>} : memref<128x128xf32, #tpu.memory_space<vmem>>, vector<1x16xf32>,
          %parallel_loop3A_307 = arith.index_cast %parallel_loop3A_196 : i32 to index
          %parallel_loop3A_308 = arith.constant 80 : index
          %parallel_loop3A_309 = tpu.vector_load %arg10[%parallel_loop3A_307, %parallel_loop3A_308] {strides = array<i32>} : memref<128x128xf32, #tpu.memory_space<vmem>>, vector<1x16xf32>,
          %parallel_loop3A_310 = vector.shape_cast %parallel_loop3A_309 : vector<1x16xf32> to vector<16xf32>
          %parallel_loop3A_311 = arith.index_cast %parallel_loop3A_196 : i32 to index
          %parallel_loop3A_312 = arith.constant 80 : index
          %parallel_loop3A_313 = tpu.vector_load %arg11[%parallel_loop3A_311, %parallel_loop3A_312] {strides = array<i32>} : memref<128x128xf32, #tpu.memory_space<vmem>>, vector<1x16xf32>,
          %parallel_loop3A_314 = vector.shape_cast %parallel_loop3A_313 : vector<1x16xf32> to vector<16xf32>
          %parallel_loop3A_315 = arith.addf %parallel_loop3A_310, %parallel_loop3A_314 : vector<16xf32>
          %parallel_loop3A_316 = arith.index_cast %parallel_loop3A_196 : i32 to index
          %parallel_loop3A_317 = arith.constant 80 : index
          %parallel_loop3A_318 = tpu.vector_load %arg12[%parallel_loop3A_316, %parallel_loop3A_317] {strides = array<i32>} : memref<128x128xf32, #tpu.memory_space<vmem>>, vector<1x16xf32>,
          %parallel_loop3A_319 = vector.shape_cast %parallel_loop3A_318 : vector<1x16xf32> to vector<16xf32>
          %parallel_loop3A_320 = arith.addf %parallel_loop3A_315, %parallel_loop3A_319 : vector<16xf32>
          %parallel_loop3A_321 = arith.constant 0.000000e+00 : f32
          %parallel_loop3A_322 = vector.broadcast %parallel_loop3A_321 : f32 to vector<16xf32>
          %parallel_loop3A_323 = arith.maximumf %parallel_loop3A_320, %parallel_loop3A_322 : vector<16xf32>
          %parallel_loop3A_324 = arith.index_cast %parallel_loop3A_196 : i32 to index
          %parallel_loop3A_325 = arith.constant 80 : index
          %parallel_loop3A_326 = tpu.vector_load %arg10[%parallel_loop3A_324, %parallel_loop3A_325] {strides = array<i32>} : memref<128x128xf32, #tpu.memory_space<vmem>>, vector<1x16xf32>,
          %parallel_loop3A_327 = vector.shape_cast %parallel_loop3A_326 : vector<1x16xf32> to vector<16xf32>
          %parallel_loop3A_328 = vector.shape_cast %parallel_loop3A_323 : vector<16xf32> to vector<1x16xf32>
          tpu.vector_store %arg10[%parallel_loop3A_324, %parallel_loop3A_325], %parallel_loop3A_328 {strides = array<i32>} : memref<128x128xf32, #tpu.memory_space<vmem>>, vector<1x16xf32>,
          %parallel_loop3A_329 = arith.index_cast %parallel_loop3A_196 : i32 to index
          %parallel_loop3A_330 = arith.constant 96 : index
          %parallel_loop3A_331 = tpu.vector_load %arg10[%parallel_loop3A_329, %parallel_loop3A_330] {strides = array<i32>} : memref<128x128xf32, #tpu.memory_space<vmem>>, vector<1x16xf32>,
          %parallel_loop3A_332 = vector.shape_cast %parallel_loop3A_331 : vector<1x16xf32> to vector<16xf32>
          %parallel_loop3A_333 = arith.index_cast %parallel_loop3A_196 : i32 to index
          %parallel_loop3A_334 = arith.constant 96 : index
          %parallel_loop3A_335 = tpu.vector_load %arg11[%parallel_loop3A_333, %parallel_loop3A_334] {strides = array<i32>} : memref<128x128xf32, #tpu.memory_space<vmem>>, vector<1x16xf32>,
          %parallel_loop3A_336 = vector.shape_cast %parallel_loop3A_335 : vector<1x16xf32> to vector<16xf32>
          %parallel_loop3A_337 = arith.addf %parallel_loop3A_332, %parallel_loop3A_336 : vector<16xf32>
          %parallel_loop3A_338 = arith.index_cast %parallel_loop3A_196 : i32 to index
          %parallel_loop3A_339 = arith.constant 96 : index
          %parallel_loop3A_340 = tpu.vector_load %arg12[%parallel_loop3A_338, %parallel_loop3A_339] {strides = array<i32>} : memref<128x128xf32, #tpu.memory_space<vmem>>, vector<1x16xf32>,
          %parallel_loop3A_341 = vector.shape_cast %parallel_loop3A_340 : vector<1x16xf32> to vector<16xf32>
          %parallel_loop3A_342 = arith.addf %parallel_loop3A_337, %parallel_loop3A_341 : vector<16xf32>
          %parallel_loop3A_343 = arith.constant 0.000000e+00 : f32
          %parallel_loop3A_344 = vector.broadcast %parallel_loop3A_343 : f32 to vector<16xf32>
          %parallel_loop3A_345 = arith.maximumf %parallel_loop3A_342, %parallel_loop3A_344 : vector<16xf32>
          %parallel_loop3A_346 = arith.index_cast %parallel_loop3A_196 : i32 to index
          %parallel_loop3A_347 = arith.constant 96 : index
          %parallel_loop3A_348 = tpu.vector_load %arg10[%parallel_loop3A_346, %parallel_loop3A_347] {strides = array<i32>} : memref<128x128xf32, #tpu.memory_space<vmem>>, vector<1x16xf32>,
          %parallel_loop3A_349 = vector.shape_cast %parallel_loop3A_348 : vector<1x16xf32> to vector<16xf32>
          %parallel_loop3A_350 = vector.shape_cast %parallel_loop3A_345 : vector<16xf32> to vector<1x16xf32>
          tpu.vector_store %arg10[%parallel_loop3A_346, %parallel_loop3A_347], %parallel_loop3A_350 {strides = array<i32>} : memref<128x128xf32, #tpu.memory_space<vmem>>, vector<1x16xf32>,
          %parallel_loop3A_351 = arith.index_cast %parallel_loop3A_196 : i32 to index
          %parallel_loop3A_352 = arith.constant 112 : index
          %parallel_loop3A_353 = tpu.vector_load %arg10[%parallel_loop3A_351, %parallel_loop3A_352] {strides = array<i32>} : memref<128x128xf32, #tpu.memory_space<vmem>>, vector<1x16xf32>,
          %parallel_loop3A_354 = vector.shape_cast %parallel_loop3A_353 : vector<1x16xf32> to vector<16xf32>
          %parallel_loop3A_355 = arith.index_cast %parallel_loop3A_196 : i32 to index
          %parallel_loop3A_356 = arith.constant 112 : index
          %parallel_loop3A_357 = tpu.vector_load %arg11[%parallel_loop3A_355, %parallel_loop3A_356] {strides = array<i32>} : memref<128x128xf32, #tpu.memory_space<vmem>>, vector<1x16xf32>,
          %parallel_loop3A_358 = vector.shape_cast %parallel_loop3A_357 : vector<1x16xf32> to vector<16xf32>
          %parallel_loop3A_359 = arith.addf %parallel_loop3A_354, %parallel_loop3A_358 : vector<16xf32>
          %parallel_loop3A_360 = arith.index_cast %parallel_loop3A_196 : i32 to index
          %parallel_loop3A_361 = arith.constant 112 : index
          %parallel_loop3A_362 = tpu.vector_load %arg12[%parallel_loop3A_360, %parallel_loop3A_361] {strides = array<i32>} : memref<128x128xf32, #tpu.memory_space<vmem>>, vector<1x16xf32>,
          %parallel_loop3A_363 = vector.shape_cast %parallel_loop3A_362 : vector<1x16xf32> to vector<16xf32>
          %parallel_loop3A_364 = arith.addf %parallel_loop3A_359, %parallel_loop3A_363 : vector<16xf32>
          %parallel_loop3A_365 = arith.constant 0.000000e+00 : f32
          %parallel_loop3A_366 = vector.broadcast %parallel_loop3A_365 : f32 to vector<16xf32>
          %parallel_loop3A_367 = arith.maximumf %parallel_loop3A_364, %parallel_loop3A_366 : vector<16xf32>
          %parallel_loop3A_368 = arith.index_cast %parallel_loop3A_196 : i32 to index
          %parallel_loop3A_369 = arith.constant 112 : index
          %parallel_loop3A_370 = tpu.vector_load %arg10[%parallel_loop3A_368, %parallel_loop3A_369] {strides = array<i32>} : memref<128x128xf32, #tpu.memory_space<vmem>>, vector<1x16xf32>,
          %parallel_loop3A_371 = vector.shape_cast %parallel_loop3A_370 : vector<1x16xf32> to vector<16xf32>
          %parallel_loop3A_372 = vector.shape_cast %parallel_loop3A_367 : vector<16xf32> to vector<1x16xf32>
          tpu.vector_store %arg10[%parallel_loop3A_368, %parallel_loop3A_369], %parallel_loop3A_372 {strides = array<i32>} : memref<128x128xf32, #tpu.memory_space<vmem>>, vector<1x16xf32>,
        } {sc.loop_unroll_factor = 4 : i64, sc.parallel_access}
        %add3A_155 = arith.constant 64 : i32
        %add3A_156 = arith.addi %mul3A_51, %add3A_155 : i32
        %dma_start3A_157 = arith.constant 64 : i32
        %dma_start3A_158 = arith.constant 0 : i32
        %dma_start3A_159 = tpu.memref_slice %arg10[%dma_start3A_157, %dma_start3A_158] : memref<128x128xf32, #tpu.memory_space<vmem>> -> memref<64x128xf32, #tpu.memory_space<vmem>>
        %dma_start3A_160 = arith.constant 0 : i32
        %dma_start3A_161 = tpu.memref_slice %arg8[%add3A_156, %dma_start3A_160] : memref<640000x128xf32, #tpu.memory_space<hbm>> -> memref<64x128xf32, #tpu.memory_space<hbm>>
        %dma_start3A_162 = arith.constant 0 : i32
        %dma_start3A_163 = tpu.memref_slice %arg8[%add3A_156, %dma_start3A_162] : memref<640000x128xf32, #tpu.memory_space<hbm>> -> memref<64x128xf32, #tpu.memory_space<hbm>>
        %dma_start3A_164 = arith.constant 64 : i32
        %dma_start3A_165 = arith.constant 0 : i32
        %dma_start3A_166 = tpu.memref_slice %arg10[%dma_start3A_164, %dma_start3A_165] : memref<128x128xf32, #tpu.memory_space<vmem>> -> memref<64x128xf32, #tpu.memory_space<vmem>>
        tpu.enqueue_dma source(%dma_start3A_166 : memref<64x128xf32, #tpu.memory_space<vmem>>) target(%dma_start3A_163 : memref<64x128xf32, #tpu.memory_space<hbm>>) target_semaphore(%arg22 : memref<!tpu.dma_semaphore, #tpu.memory_space<semaphore_mem>>)
        %dma_wait3A_167 = arith.constant 0 : i32
        %dma_wait3A_168 = arith.constant 0 : i32
        %dma_wait3A_169 = tpu.memref_slice %arg15[%dma_wait3A_167, %dma_wait3A_168] : memref<1x128xi32, #tpu.memory_space<vmem>> -> memref<1x128xi32, #tpu.memory_space<vmem>>
        %dma_wait3A_170 = tpu.memref_squeeze %dma_wait3A_169 : memref<1x128xi32, #tpu.memory_space<vmem>> -> memref<128xi32, #tpu.memory_space<vmem>>
        %dma_wait3A_171 = tpu.memref_slice %arg7[%mul3A_51] : memref<640000xi32, #tpu.memory_space<hbm>> -> memref<128xi32, #tpu.memory_space<hbm>>
        %dma_wait3A_172 = arith.constant 0 : i32
        %dma_wait3A_173 = tpu.memref_slice %arg15[%dma_wait3A_167, %dma_wait3A_172] : memref<1x128xi32, #tpu.memory_space<vmem>> -> memref<1x128xi32, #tpu.memory_space<vmem>>
        %dma_wait3A_174 = tpu.memref_squeeze %dma_wait3A_173 : memref<1x128xi32, #tpu.memory_space<vmem>> -> memref<128xi32, #tpu.memory_space<vmem>>
        %dma_wait3A_175 = tpu.memref_slice %arg7[%mul3A_51] : memref<640000xi32, #tpu.memory_space<hbm>> -> memref<128xi32, #tpu.memory_space<hbm>>
        tpu.wait_dma2 semaphore(%arg19 : memref<!tpu.dma_semaphore, #tpu.memory_space<semaphore_mem>>) src(%dma_wait3A_175 : memref<128xi32, #tpu.memory_space<hbm>>) dst(%dma_wait3A_174 : memref<128xi32, #tpu.memory_space<vmem>>)
        %run_scoped3A = arith.constant 0 : i32
        "tpu.region"() ({
          %run_scoped3A_196 = tpu.sem_alloc : memref<!tpu.dma_semaphore, #tpu.memory_space<semaphore_mem>>
          %dma_start3A_197 = arith.constant 0 : i32
          %dma_start3A_198 = tpu.memref_slice %arg15[%run_scoped3A, %dma_start3A_197] : memref<1x128xi32, #tpu.memory_space<vmem>> -> memref<1x128xi32, #tpu.memory_space<vmem>>
          %dma_start3A_199 = tpu.memref_squeeze %dma_start3A_198 : memref<1x128xi32, #tpu.memory_space<vmem>> -> memref<128xi32, #tpu.memory_space<vmem>>
          %dma_start3A_200 = arith.constant 0 : i32
          %dma_start3A_201 = arith.constant 0 : i32
          %dma_start3A_202 = tpu.memref_slice %arg16[%dma_start3A_200, %dma_start3A_201] : memref<10000x128xf32, #tpu.memory_space<vmem_shared>> -> memref<10000x128xf32, #tpu.memory_space<vmem_shared>>
          tpu.enqueue_indirect_dma source(%arg10 : memref<128x128xf32, #tpu.memory_space<vmem>>) target(%dma_start3A_202 : memref<10000x128xf32, #tpu.memory_space<vmem_shared>>) offsets(%dma_start3A_199 : memref<128xi32, #tpu.memory_space<vmem>>) semaphore(%run_scoped3A_196 : memref<!tpu.dma_semaphore, #tpu.memory_space<semaphore_mem>>) {add = true}
          %dma_wait3A_203 = arith.constant 0 : i32
          %dma_wait3A_204 = tpu.memref_slice %arg15[%run_scoped3A, %dma_wait3A_203] : memref<1x128xi32, #tpu.memory_space<vmem>> -> memref<1x128xi32, #tpu.memory_space<vmem>>
          %dma_wait3A_205 = tpu.memref_squeeze %dma_wait3A_204 : memref<1x128xi32, #tpu.memory_space<vmem>> -> memref<128xi32, #tpu.memory_space<vmem>>
          %dma_wait3A_206 = arith.constant 0 : i32
          %dma_wait3A_207 = arith.constant 0 : i32
          %dma_wait3A_208 = tpu.memref_slice %arg16[%dma_wait3A_206, %dma_wait3A_207] : memref<10000x128xf32, #tpu.memory_space<vmem_shared>> -> memref<10000x128xf32, #tpu.memory_space<vmem_shared>>
          tpu.wait_indirect_dma semaphore(%run_scoped3A_196 : memref<!tpu.dma_semaphore, #tpu.memory_space<semaphore_mem>>) src(%arg10 : memref<128x128xf32, #tpu.memory_space<vmem>>) dst(%dma_wait3A_208 : memref<10000x128xf32, #tpu.memory_space<vmem_shared>>)
          tpu.yield
        }) : () -> ()
        %dma_wait3A_176 = arith.constant 0 : i32
        %dma_wait3A_177 = arith.constant 0 : i32
        %dma_wait3A_178 = tpu.memref_slice %arg10[%dma_wait3A_176, %dma_wait3A_177] : memref<128x128xf32, #tpu.memory_space<vmem>> -> memref<64x128xf32, #tpu.memory_space<vmem>>
        %dma_wait3A_179 = arith.constant 0 : i32
        %dma_wait3A_180 = tpu.memref_slice %arg8[%mul3A_51, %dma_wait3A_179] : memref<640000x128xf32, #tpu.memory_space<hbm>> -> memref<64x128xf32, #tpu.memory_space<hbm>>
        %dma_wait3A_181 = arith.constant 0 : i32
        %dma_wait3A_182 = tpu.memref_slice %arg8[%mul3A_51, %dma_wait3A_181] : memref<640000x128xf32, #tpu.memory_space<hbm>> -> memref<64x128xf32, #tpu.memory_space<hbm>>
        %dma_wait3A_183 = arith.constant 0 : i32
        %dma_wait3A_184 = arith.constant 0 : i32
        %dma_wait3A_185 = tpu.memref_slice %arg10[%dma_wait3A_183, %dma_wait3A_184] : memref<128x128xf32, #tpu.memory_space<vmem>> -> memref<64x128xf32, #tpu.memory_space<vmem>>
        tpu.wait_dma2 semaphore(%arg22 : memref<!tpu.dma_semaphore, #tpu.memory_space<semaphore_mem>>) src(%dma_wait3A_185 : memref<64x128xf32, #tpu.memory_space<vmem>>) dst(%dma_wait3A_182 : memref<64x128xf32, #tpu.memory_space<hbm>>)
        %dma_wait3A_186 = arith.constant 64 : i32
        %dma_wait3A_187 = arith.constant 0 : i32
        %dma_wait3A_188 = tpu.memref_slice %arg10[%dma_wait3A_186, %dma_wait3A_187] : memref<128x128xf32, #tpu.memory_space<vmem>> -> memref<64x128xf32, #tpu.memory_space<vmem>>
        %dma_wait3A_189 = arith.constant 0 : i32
        %dma_wait3A_190 = tpu.memref_slice %arg8[%add3A_156, %dma_wait3A_189] : memref<640000x128xf32, #tpu.memory_space<hbm>> -> memref<64x128xf32, #tpu.memory_space<hbm>>
        %dma_wait3A_191 = arith.constant 0 : i32
        %dma_wait3A_192 = tpu.memref_slice %arg8[%add3A_156, %dma_wait3A_191] : memref<640000x128xf32, #tpu.memory_space<hbm>> -> memref<64x128xf32, #tpu.memory_space<hbm>>
        %dma_wait3A_193 = arith.constant 64 : i32
        %dma_wait3A_194 = arith.constant 0 : i32
        %dma_wait3A_195 = tpu.memref_slice %arg10[%dma_wait3A_193, %dma_wait3A_194] : memref<128x128xf32, #tpu.memory_space<vmem>> -> memref<64x128xf32, #tpu.memory_space<vmem>>
        tpu.wait_dma2 semaphore(%arg22 : memref<!tpu.dma_semaphore, #tpu.memory_space<semaphore_mem>>) src(%dma_wait3A_195 : memref<64x128xf32, #tpu.memory_space<vmem>>) dst(%dma_wait3A_192 : memref<64x128xf32, #tpu.memory_space<hbm>>)
      } else {
      }
    }
    %scan3A_25 = arith.constant 157 : i32
    %barrier3A_26 = arith.constant 0 : index
    tpu.barrier barrier_id(%barrier3A_26)
    %mul3A_27 = arith.constant 624 : i32
    %mul3A_28 = arith.muli %arg1, %mul3A_27 : i32
    %mul3A_29 = arith.constant 10000 : i32
    %mul3A_30 = arith.muli %arg0, %mul3A_29 : i32
    %mul3A_31 = arith.constant 624 : i32
    %mul3A_32 = arith.muli %arg1, %mul3A_31 : i32
    %add3A_33 = arith.addi %mul3A_30, %mul3A_32 : i32
    "tpu.region"() ({
      %run_scoped3A = tpu.sem_alloc : memref<!tpu.dma_semaphore, #tpu.memory_space<semaphore_mem>>
      %dma_start3A = arith.constant 0 : i32
      %dma_start3A_39 = tpu.memref_slice %arg9[%add3A_33, %dma_start3A] : memref<20000x128xf32, #tpu.memory_space<hbm>> -> memref<624x128xf32, #tpu.memory_space<hbm>>
      %dma_start3A_40 = arith.constant 0 : i32
      %dma_start3A_41 = tpu.memref_slice %arg16[%mul3A_28, %dma_start3A_40] : memref<10000x128xf32, #tpu.memory_space<vmem_shared>> -> memref<624x128xf32, #tpu.memory_space<vmem_shared>>
      tpu.enqueue_dma source(%dma_start3A_41 : memref<624x128xf32, #tpu.memory_space<vmem_shared>>) target(%dma_start3A_39 : memref<624x128xf32, #tpu.memory_space<hbm>>) target_semaphore(%run_scoped3A : memref<!tpu.dma_semaphore, #tpu.memory_space<semaphore_mem>>)
      %dma_wait3A = arith.constant 0 : i32
      %dma_wait3A_42 = tpu.memref_slice %arg9[%add3A_33, %dma_wait3A] : memref<20000x128xf32, #tpu.memory_space<hbm>> -> memref<624x128xf32, #tpu.memory_space<hbm>>
      %dma_wait3A_43 = arith.constant 0 : i32
      %dma_wait3A_44 = tpu.memref_slice %arg16[%mul3A_28, %dma_wait3A_43] : memref<10000x128xf32, #tpu.memory_space<vmem_shared>> -> memref<624x128xf32, #tpu.memory_space<vmem_shared>>
      tpu.wait_dma2 semaphore(%run_scoped3A : memref<!tpu.dma_semaphore, #tpu.memory_space<semaphore_mem>>) src(%dma_wait3A_44 : memref<624x128xf32, #tpu.memory_space<vmem_shared>>) dst(%dma_wait3A_42 : memref<624x128xf32, #tpu.memory_space<hbm>>)
      tpu.yield
    }) : () -> ()
    %eq3A_34 = arith.constant 15 : i32
    %eq3A_35 = arith.cmpi eq, %arg1, %eq3A_34 : i32
    %convert_element_type3A_36 = arith.extui %eq3A_35 : i1 to i32
    %cond3A_37 = arith.constant 0 : i32
    %cond3A_38 = arith.cmpi ne, %convert_element_type3A_36, %cond3A_37 : i32
    scf.if %cond3A_38 {
      %mul3A_39 = arith.constant 10000 : i32
      %mul3A_40 = arith.muli %arg0, %mul3A_39 : i32
      %add3A_41 = arith.constant 9984 : i32
      %add3A_42 = arith.addi %mul3A_40, %add3A_41 : i32
      "tpu.region"() ({
        %run_scoped3A = tpu.sem_alloc : memref<!tpu.dma_semaphore, #tpu.memory_space<semaphore_mem>>
        %dma_start3A = arith.constant 0 : i32
        %dma_start3A_43 = tpu.memref_slice %arg9[%add3A_42, %dma_start3A] : memref<20000x128xf32, #tpu.memory_space<hbm>> -> memref<16x128xf32, #tpu.memory_space<hbm>>
        %dma_start3A_44 = arith.constant 9984 : i32
        %dma_start3A_45 = arith.constant 0 : i32
        %dma_start3A_46 = tpu.memref_slice %arg16[%dma_start3A_44, %dma_start3A_45] : memref<10000x128xf32, #tpu.memory_space<vmem_shared>> -> memref<16x128xf32, #tpu.memory_space<vmem_shared>>
        tpu.enqueue_dma source(%dma_start3A_46 : memref<16x128xf32, #tpu.memory_space<vmem_shared>>) target(%dma_start3A_43 : memref<16x128xf32, #tpu.memory_space<hbm>>) target_semaphore(%run_scoped3A : memref<!tpu.dma_semaphore, #tpu.memory_space<semaphore_mem>>)
        %dma_wait3A = arith.constant 0 : i32
        %dma_wait3A_47 = tpu.memref_slice %arg9[%add3A_42, %dma_wait3A] : memref<20000x128xf32, #tpu.memory_space<hbm>> -> memref<16x128xf32, #tpu.memory_space<hbm>>
        %dma_wait3A_48 = arith.constant 9984 : i32
        %dma_wait3A_49 = arith.constant 0 : i32
        %dma_wait3A_50 = tpu.memref_slice %arg16[%dma_wait3A_48, %dma_wait3A_49] : memref<10000x128xf32, #tpu.memory_space<vmem_shared>> -> memref<16x128xf32, #tpu.memory_space<vmem_shared>>
        tpu.wait_dma2 semaphore(%run_scoped3A : memref<!tpu.dma_semaphore, #tpu.memory_space<semaphore_mem>>) src(%dma_wait3A_50 : memref<16x128xf32, #tpu.memory_space<vmem_shared>>) dst(%dma_wait3A_47 : memref<16x128xf32, #tpu.memory_space<hbm>>)
        tpu.yield
      }) : () -> ()
    } else {
    }
    return
  }
}

module attributes {stable_mosaic.version = 14 : i64} {
  func.func @_edge_mm_body(%arg0: i32, %arg1: memref<10000x128xf32, #tpu.memory_space<vmem>>, %arg2: memref<128x128xf32, #tpu.memory_space<vmem>>, %arg3: memref<10000x128xf32, #tpu.memory_space<vmem>>) attributes {dimension_semantics = [#tpu.dimension_semantics<arbitrary>], iteration_bounds = array<i64: 64>, scalar_prefetch = 0 : i64, scratch_operands = 0 : i64, tpu.core_type = #tpu.core_type<tc>, window_params = [{transform_indices = @transform_0, window_bounds = array<i64: 10000, 128>}, {pipeline_mode = #tpu.pipeline_mode<synchronous>, transform_indices = @transform_1, window_bounds = array<i64: 128, 128>}, {transform_indices = @transform_2, window_bounds = array<i64: 10000, 128>}]} {
    %get3A = arith.constant 0 : index
    %get3A_0 = arith.constant 0 : index
    %get3A_1 = vector.load %arg1[%get3A, %get3A_0] : memref<10000x128xf32, #tpu.memory_space<vmem>>, vector<10000x128xf32>
    %get3A_2 = arith.constant 0 : index
    %get3A_3 = arith.constant 0 : index
    %get3A_4 = vector.load %arg2[%get3A_2, %get3A_3] : memref<128x128xf32, #tpu.memory_space<vmem>>, vector<128x128xf32>
    %dot_general3A = arith.constant dense<0.000000e+00> : vector<10000x128xf32>
    %dot_general3A_5 = tpu.matmul %get3A_1, %get3A_4, %dot_general3A {dimension_numbers = #tpu.dot_dimension_numbers<[1], [0], [0], [1], [0, 0, 1, 1], [], []>, transpose_lhs_hint = false} : vector<10000x128xf32>, vector<128x128xf32>, vector<10000x128xf32> -> vector<10000x128xf32>
    %swap3A = arith.constant 0 : index
    %swap3A_6 = arith.constant 0 : index
    %swap3A_7 = vector.load %arg3[%swap3A, %swap3A_6] : memref<10000x128xf32, #tpu.memory_space<vmem>>, vector<10000x128xf32>
    tpu.vector_store %arg3[%swap3A, %swap3A_6], %dot_general3A_5 {strides = array<i32>} : memref<10000x128xf32, #tpu.memory_space<vmem>>, vector<10000x128xf32>,
    return
  }
  func.func @transform_0(%arg0: i32) -> (i32, i32) {
    %c0_i32 = arith.constant 0 : i32
    %c0_i32_0 = arith.constant 0 : i32
    return %arg0, %c0_i32 : i32, i32
  }
  func.func @transform_1(%arg0: i32) -> (i32, i32) {
    %c0_i32 = arith.constant 0 : i32
    %c0_i32_0 = arith.constant 0 : i32
    %c0_i32_1 = arith.constant 0 : i32
    return %c0_i32, %c0_i32_0 : i32, i32
  }
  func.func @transform_2(%arg0: i32) -> (i32, i32) {
    %c0_i32 = arith.constant 0 : i32
    %c0_i32_0 = arith.constant 0 : i32
    return %arg0, %c0_i32 : i32, i32
  }
}

module attributes {stable_mosaic.version = 14 : i64} {
  func.func @_tables_body(%arg0: i32, %arg1: memref<10000x128xf32, #tpu.memory_space<vmem>>, %arg2: memref<128x128xf32, #tpu.memory_space<vmem>>, %arg3: memref<128x128xf32, #tpu.memory_space<vmem>>, %arg4: memref<1x128xf32, #tpu.memory_space<vmem>>, %arg5: memref<10000x128xf32, #tpu.memory_space<vmem>>, %arg6: memref<10000x128xf32, #tpu.memory_space<vmem>>) attributes {dimension_semantics = [#tpu.dimension_semantics<arbitrary>], iteration_bounds = array<i64: 2>, scalar_prefetch = 0 : i64, scratch_operands = 0 : i64, tpu.core_type = #tpu.core_type<tc>, window_params = [{transform_indices = @transform_0, window_bounds = array<i64: 10000, 128>}, {pipeline_mode = #tpu.pipeline_mode<synchronous>, transform_indices = @transform_1, window_bounds = array<i64: 128, 128>}, {pipeline_mode = #tpu.pipeline_mode<synchronous>, transform_indices = @transform_2, window_bounds = array<i64: 128, 128>}, {pipeline_mode = #tpu.pipeline_mode<synchronous>, transform_indices = @transform_3, window_bounds = array<i64: 1, 128>}, {transform_indices = @transform_4, window_bounds = array<i64: 10000, 128>}, {transform_indices = @transform_5, window_bounds = array<i64: 10000, 128>}]} {
    %get3A = arith.constant 0 : index
    %get3A_0 = arith.constant 0 : index
    %get3A_1 = vector.load %arg1[%get3A, %get3A_0] : memref<10000x128xf32, #tpu.memory_space<vmem>>, vector<10000x128xf32>
    %get3A_2 = arith.constant 0 : index
    %get3A_3 = arith.constant 0 : index
    %get3A_4 = vector.load %arg2[%get3A_2, %get3A_3] : memref<128x128xf32, #tpu.memory_space<vmem>>, vector<128x128xf32>
    %dot_general3A = arith.constant dense<0.000000e+00> : vector<10000x128xf32>
    %dot_general3A_5 = tpu.matmul %get3A_1, %get3A_4, %dot_general3A {dimension_numbers = #tpu.dot_dimension_numbers<[1], [0], [0], [1], [0, 0, 1, 1], [], []>, transpose_lhs_hint = false} : vector<10000x128xf32>, vector<128x128xf32>, vector<10000x128xf32> -> vector<10000x128xf32>
    %get3A_6 = arith.constant 0 : index
    %get3A_7 = arith.constant 0 : index
    %get3A_8 = vector.load %arg4[%get3A_6, %get3A_7] : memref<1x128xf32, #tpu.memory_space<vmem>>, vector<1x128xf32>
    %add3A = vector.broadcast %get3A_8 : vector<1x128xf32> to vector<10000x128xf32>
    %add3A_9 = arith.addf %dot_general3A_5, %add3A : vector<10000x128xf32>
    %swap3A = arith.constant 0 : index
    %swap3A_10 = arith.constant 0 : index
    %swap3A_11 = vector.load %arg5[%swap3A, %swap3A_10] : memref<10000x128xf32, #tpu.memory_space<vmem>>, vector<10000x128xf32>
    tpu.vector_store %arg5[%swap3A, %swap3A_10], %add3A_9 {strides = array<i32>} : memref<10000x128xf32, #tpu.memory_space<vmem>>, vector<10000x128xf32>,
    %get3A_12 = arith.constant 0 : index
    %get3A_13 = arith.constant 0 : index
    %get3A_14 = vector.load %arg3[%get3A_12, %get3A_13] : memref<128x128xf32, #tpu.memory_space<vmem>>, vector<128x128xf32>
    %dot_general3A_15 = arith.constant dense<0.000000e+00> : vector<10000x128xf32>
    %dot_general3A_16 = tpu.matmul %get3A_1, %get3A_14, %dot_general3A_15 {dimension_numbers = #tpu.dot_dimension_numbers<[1], [0], [0], [1], [0, 0, 1, 1], [], []>, transpose_lhs_hint = false} : vector<10000x128xf32>, vector<128x128xf32>, vector<10000x128xf32> -> vector<10000x128xf32>
    %swap3A_17 = arith.constant 0 : index
    %swap3A_18 = arith.constant 0 : index
    %swap3A_19 = vector.load %arg6[%swap3A_17, %swap3A_18] : memref<10000x128xf32, #tpu.memory_space<vmem>>, vector<10000x128xf32>
    tpu.vector_store %arg6[%swap3A_17, %swap3A_18], %dot_general3A_16 {strides = array<i32>} : memref<10000x128xf32, #tpu.memory_space<vmem>>, vector<10000x128xf32>,
    return
  }
  func.func @transform_0(%arg0: i32) -> (i32, i32) {
    %c0_i32 = arith.constant 0 : i32
    %c0_i32_0 = arith.constant 0 : i32
    return %arg0, %c0_i32 : i32, i32
  }
  func.func @transform_1(%arg0: i32) -> (i32, i32) {
    %c0_i32 = arith.constant 0 : i32
    %c0_i32_0 = arith.constant 0 : i32
    %c0_i32_1 = arith.constant 0 : i32
    return %c0_i32, %c0_i32_0 : i32, i32
  }
  func.func @transform_2(%arg0: i32) -> (i32, i32) {
    %c0_i32 = arith.constant 0 : i32
    %c0_i32_0 = arith.constant 0 : i32
    %c0_i32_1 = arith.constant 0 : i32
    return %c0_i32, %c0_i32_0 : i32, i32
  }
  func.func @transform_3(%arg0: i32) -> (i32, i32) {
    %c0_i32 = arith.constant 0 : i32
    %c0_i32_0 = arith.constant 0 : i32
    %c0_i32_1 = arith.constant 0 : i32
    return %c0_i32, %c0_i32_0 : i32, i32
  }
  func.func @transform_4(%arg0: i32) -> (i32, i32) {
    %c0_i32 = arith.constant 0 : i32
    %c0_i32_0 = arith.constant 0 : i32
    return %arg0, %c0_i32 : i32, i32
  }
  func.func @transform_5(%arg0: i32) -> (i32, i32) {
    %c0_i32 = arith.constant 0 : i32
    %c0_i32_0 = arith.constant 0 : i32
    return %arg0, %c0_i32 : i32, i32
  }
}

module attributes {stable_mosaic.version = 14 : i64} {
  func.func @_node_body(%arg0: i32, %arg1: memref<10000x128xf32, #tpu.memory_space<vmem>>, %arg2: memref<10000x128xf32, #tpu.memory_space<vmem>>, %arg3: memref<256x128xf32, #tpu.memory_space<vmem>>, %arg4: memref<1x128xf32, #tpu.memory_space<vmem>>, %arg5: memref<10000x128xf32, #tpu.memory_space<vmem>>) attributes {dimension_semantics = [#tpu.dimension_semantics<arbitrary>], iteration_bounds = array<i64: 2>, scalar_prefetch = 0 : i64, scratch_operands = 0 : i64, tpu.core_type = #tpu.core_type<tc>, window_params = [{transform_indices = @transform_0, window_bounds = array<i64: 10000, 128>}, {transform_indices = @transform_1, window_bounds = array<i64: 10000, 128>}, {pipeline_mode = #tpu.pipeline_mode<synchronous>, transform_indices = @transform_2, window_bounds = array<i64: 256, 128>}, {pipeline_mode = #tpu.pipeline_mode<synchronous>, transform_indices = @transform_3, window_bounds = array<i64: 1, 128>}, {transform_indices = @transform_4, window_bounds = array<i64: 10000, 128>}]} {
    %get3A = arith.constant 0 : index
    %get3A_0 = arith.constant 0 : index
    %get3A_1 = vector.load %arg1[%get3A, %get3A_0] : memref<10000x128xf32, #tpu.memory_space<vmem>>, vector<10000x128xf32>
    %get3A_2 = arith.constant 0 : index
    %get3A_3 = arith.constant 0 : index
    %get3A_4 = vector.load %arg3[%get3A_2, %get3A_3] : memref<256x128xf32, #tpu.memory_space<vmem>>, vector<128x128xf32>
    %dot_general3A = arith.constant dense<0.000000e+00> : vector<10000x128xf32>
    %dot_general3A_5 = tpu.matmul %get3A_1, %get3A_4, %dot_general3A {dimension_numbers = #tpu.dot_dimension_numbers<[1], [0], [0], [1], [0, 0, 1, 1], [], []>, transpose_lhs_hint = false} : vector<10000x128xf32>, vector<128x128xf32>, vector<10000x128xf32> -> vector<10000x128xf32>
    %get3A_6 = arith.constant 0 : index
    %get3A_7 = arith.constant 0 : index
    %get3A_8 = vector.load %arg2[%get3A_6, %get3A_7] : memref<10000x128xf32, #tpu.memory_space<vmem>>, vector<10000x128xf32>
    %get3A_9 = arith.constant 128 : index
    %get3A_10 = arith.constant 0 : index
    %get3A_11 = vector.load %arg3[%get3A_9, %get3A_10] : memref<256x128xf32, #tpu.memory_space<vmem>>, vector<128x128xf32>
    %dot_general3A_12 = arith.constant dense<0.000000e+00> : vector<10000x128xf32>
    %dot_general3A_13 = tpu.matmul %get3A_8, %get3A_11, %dot_general3A_12 {dimension_numbers = #tpu.dot_dimension_numbers<[1], [0], [0], [1], [0, 0, 1, 1], [], []>, transpose_lhs_hint = false} : vector<10000x128xf32>, vector<128x128xf32>, vector<10000x128xf32> -> vector<10000x128xf32>
    %add3A = arith.addf %dot_general3A_5, %dot_general3A_13 : vector<10000x128xf32>
    %get3A_14 = arith.constant 0 : index
    %get3A_15 = arith.constant 0 : index
    %get3A_16 = vector.load %arg4[%get3A_14, %get3A_15] : memref<1x128xf32, #tpu.memory_space<vmem>>, vector<1x128xf32>
    %add3A_17 = vector.broadcast %get3A_16 : vector<1x128xf32> to vector<10000x128xf32>
    %add3A_18 = arith.addf %add3A, %add3A_17 : vector<10000x128xf32>
    %max3A = arith.constant 0.000000e+00 : f32
    %max3A_19 = vector.broadcast %max3A : f32 to vector<10000x128xf32>
    %max3A_20 = arith.maximumf %add3A_18, %max3A_19 : vector<10000x128xf32>
    %swap3A = arith.constant 0 : index
    %swap3A_21 = arith.constant 0 : index
    %swap3A_22 = vector.load %arg5[%swap3A, %swap3A_21] : memref<10000x128xf32, #tpu.memory_space<vmem>>, vector<10000x128xf32>
    tpu.vector_store %arg5[%swap3A, %swap3A_21], %max3A_20 {strides = array<i32>} : memref<10000x128xf32, #tpu.memory_space<vmem>>, vector<10000x128xf32>,
    return
  }
  func.func @transform_0(%arg0: i32) -> (i32, i32) {
    %c0_i32 = arith.constant 0 : i32
    %c0_i32_0 = arith.constant 0 : i32
    return %arg0, %c0_i32 : i32, i32
  }
  func.func @transform_1(%arg0: i32) -> (i32, i32) {
    %c0_i32 = arith.constant 0 : i32
    %c0_i32_0 = arith.constant 0 : i32
    return %arg0, %c0_i32 : i32, i32
  }
  func.func @transform_2(%arg0: i32) -> (i32, i32) {
    %c0_i32 = arith.constant 0 : i32
    %c0_i32_0 = arith.constant 0 : i32
    %c0_i32_1 = arith.constant 0 : i32
    return %c0_i32, %c0_i32_0 : i32, i32
  }
  func.func @transform_3(%arg0: i32) -> (i32, i32) {
    %c0_i32 = arith.constant 0 : i32
    %c0_i32_0 = arith.constant 0 : i32
    %c0_i32_1 = arith.constant 0 : i32
    return %c0_i32, %c0_i32_0 : i32, i32
  }
  func.func @transform_4(%arg0: i32) -> (i32, i32) {
    %c0_i32 = arith.constant 0 : i32
    %c0_i32_0 = arith.constant 0 : i32
    return %arg0, %c0_i32 : i32, i32
  }
}

</mosaic_0001>

<sc_bundles>
// kernel: kernel.6.cloned.1.call-start
scs
__scs_entry_jumppad:
0x0: {  	(pc) =	sbr.rel $0x88, $3  }
0x1: {  	(tag) =	ssettag $0x0;
	lr =	simm.s32 $0x1  }
0x2: {  	[smem:$0x3F9A] =	sst lr;
	_ =	strace $0xD0000000  }
0x3: {  	_ = 	snop  }
0x4: {  	_ = 	snop  }
0x5: {  	_ = 	snop  }
0x6: {  	_ = 	snop  }
0x7: {  	_ = 	snop  }
__scs_overlays_trampoline_lowered:
0x8: {  	[smem:$0x3FA9] =	sst s0  }
0x9: {  	[smem:$0x3FAA] =	sst s1  }
0xa: {  	[smem:$0x3FAB] =	sst s2  }
0xb: {  	[smem:$0x3FAC] =	sst s3  }
0xc: {  	[smem:$0x3FAD] =	sst s4  }
0xd: {  	[smem:$0x3FAE] =	sst s5  }
0xe: {  	[smem:$0x3FAF] =	sst s6  }
0xf: {  	[smem:$0x3FB0] =	sst s7  }
0x10: {  	[smem:$0x3FB1] =	sst s8  }
0x11: {  	[smem:$0x3FB2] =	sst s9;
	s0 =	simm.s32 @!p0 $0x0  }
0x12: {  	s1 =	sld [smem:$0x3F98];
	s0 =	simm.s32 @p0 $0x1  }
0x13: {  	[smem:$0x3FB3] =	sst s0;
	s0 =	simm.s32 @!p1 $0x0  }
0x14: {  	s2 =	sld [smem:$0x3F97];
	s0 =	simm.s32 @p1 $0x1  }
0x15: {  	[smem:$0x3FB4] =	sst s0;
	s0 =	simm.s32 @!p2 $0x0  }
0x16: {  	s3 =	sld [smem:$0x3FDB];
	s0 =	simm.s32 @p2 $0x1  }
0x17: {  	s4 =	simm.s32 $0x1BF5;
	[smem:$0x3FB6] =	sst s0  }
0x18: {  	s0 =	sld [smem:$0x3F99];
	_ =	swait.ge [sflag:s4], $0x0  }
0x19: {  	s7 =	sld [smem:$0x3F9A]  }
0x1a: {  	s8 =	sadd.s32 $0xFFFFE003, lr  }
0x1b: {  	s9 =	sadd.s32 $0xFFFFFEF7, lr;
	s5 =	simm.s32 $0xFFFFFFFF;
	p2 =	slt.u32 s8, $0xFFFFF086  }
0x1c: {  	p1 =	slt.u32 s9, $0xF7A;
	s5 =	simm.s32 @!p2 $0x0  }
0x1d: {  	s5 =	simm.s32 @p1 $0x1;
	p0 =	seq.s32 s7, s2  }
0x1e: {  	s7 =	smul.u32 @!p0 $0xF7A, s2;
	p2 =	seq.s32 @!p0 s5, $0x0  }
0x1f: {  	s9 =	smul.u32 $0xF7A, s1;
	s8 =	simm.s32 @!p0 $0x1BF5;
	p2 =	por !p2, p0  }
0x20: {  	[sflag:s8] =	ssyncset.s32 @!p0 $0xFFFFF086;
	s6 =	sadd.s32 @!p0 s3, s7;
	s7 =	simm.s32 @!p0 $0x108  }
0x21: {  	s3 =	sadd.s32 s3, s9;
	s6 =	sadd.s32 @!p0 $0x88, s6;
	s7 =	simm.s32 @p2 $0x1082  }
0x22: {  	[simem:s7], [sflag:s8] =	dma.local @!p0 [hbm:s6], $0xF7A  }
0x23: {  	s9 =	sor.u32 $0xD0000000, s2;
	s6 =	simm.s32 $0x108;
	_ =	swait.ge @!p0 [sflag:s8], $0x0  }
0x24: {  	s3 =	sadd.s32 $0x88, s3;
	s6 =	simm.s32 @!p1 $0x1082;
	[sflag:s4] =	ssyncset.s32 $0xFFFFF086  }
0x25: {  	[simem:s6], [sflag:s4] =	dma.local [hbm:s3], $0xF7A  }
0x26: {  	[smem:$0x3F9A] =	sst s1;
	(tag) =	ssettag s2;
	_ =	strace s9  }
0x27: {  	s1 =	sld [smem:$0x3FAA]  }
0x28: {  	s2 =	sld [smem:$0x3FAB]  }
0x29: {  	s4 =	sld [smem:$0x3FAD]  }
0x2a: {  	p0 =	seq.s32 s5, $0x0;
	s5 =	sld [smem:$0x3FAE]  }
0x2b: {  	s6 =	sld [smem:$0x3FAF]  }
0x2c: {  	s7 =	sld [smem:$0x3FB0]  }
0x2d: {  	s3 =	simm.s32 $0x108;
	s8 =	sld [smem:$0x3FB1]  }
0x2e: {  	s3 =	simm.s32 @!p0 $0x1082;
	s9 =	sld [smem:$0x3FB2]  }
0x2f: {  	lr =	sadd.s32 s0, s3;
	s0 =	sld [smem:$0x3FA9]  }
0x30: {  	s3 =	sld [smem:$0x3FAC]  }
0x31: {  	[smem:$0x3FB5] =	sst s10  }
0x32: {  	s10 =	sld [smem:$0x3FB3];
	_ =	sdelay $0x3  }
0x33: {  	p0 =	seq.s32 s10, $0x1;
	s10 =	sld [smem:$0x3FB5];
	_ =	sdelay $0x3  }
0x34: {  	[smem:$0x3FB5] =	sst s10  }
0x35: {  	s10 =	sld [smem:$0x3FB4];
	_ =	sdelay $0x3  }
0x36: {  	p1 =	seq.s32 s10, $0x1;
	s10 =	sld [smem:$0x3FB5];
	_ =	sdelay $0x3  }
0x37: {  	[smem:$0x3FB5] =	sst s10  }
0x38: {  	s10 =	sld [smem:$0x3FB6]  }
0x39: {  	_ = 	snop;
	(pc) =	sbr.ind lr, $3  }
0x3a: {  	_ = 	snop  }
0x3b: {  	_ = 	snop  }
0x3c: {  	p2 =	seq.s32 s10, $0x1;
	s10 =	sld [smem:$0x3FB5]  }
0x3d: {  	_ =	shalt  }
0x3e: {  	_ =	shalt  }
0x3f: {  	_ =	shalt  }
0x40: {  	_ =	shalt  }
0x41: {  	_ =	shalt  }
0x42: {  	_ =	shalt  }
0x43: {  	_ =	shalt  }
0x44: {  	_ =	shalt  }
0x45: {  	_ =	shalt  }
0x46: {  	_ =	shalt  }
0x47: {  	_ =	shalt  }
0x48: {  	_ =	shalt  }
0x49: {  	_ =	shalt  }
0x4a: {  	_ =	shalt  }
0x4b: {  	_ =	shalt  }
0x4c: {  	_ =	shalt  }
0x4d: {  	_ =	shalt  }
0x4e: {  	_ =	shalt  }
0x4f: {  	_ =	shalt  }
0x50: {  	_ =	shalt  }
0x51: {  	_ =	shalt  }
0x52: {  	_ =	shalt  }
0x53: {  	_ =	shalt  }
0x54: {  	_ =	shalt  }
0x55: {  	_ =	shalt  }
0x56: {  	_ =	shalt  }
0x57: {  	_ =	shalt  }
0x58: {  	_ =	shalt  }
0x59: {  	_ =	shalt  }
0x5a: {  	_ =	shalt  }
0x5b: {  	_ =	shalt  }
0x5c: {  	_ =	shalt  }
0x5d: {  	_ =	shalt  }
0x5e: {  	_ =	shalt  }
0x5f: {  	_ =	shalt  }
0x60: {  	_ =	shalt  }
0x61: {  	_ =	shalt  }
0x62: {  	_ =	shalt  }
0x63: {  	_ =	shalt  }
0x64: {  	_ =	shalt  }
0x65: {  	_ =	shalt  }
0x66: {  	_ =	shalt  }
0x67: {  	_ =	shalt  }
0x68: {  	_ =	shalt  }
0x69: {  	_ =	shalt  }
0x6a: {  	_ =	shalt  }
0x6b: {  	_ =	shalt  }
0x6c: {  	_ =	shalt  }
0x6d: {  	_ =	shalt  }
0x6e: {  	_ =	shalt  }
0x6f: {  	_ =	shalt  }
0x70: {  	_ =	shalt  }
0x71: {  	_ =	shalt  }
0x72: {  	_ =	shalt  }
0x73: {  	_ =	shalt  }
0x74: {  	_ =	shalt  }
0x75: {  	_ =	shalt  }
0x76: {  	_ =	shalt  }
0x77: {  	_ =	shalt  }
0x78: {  	_ =	shalt  }
0x79: {  	_ =	shalt  }
0x7a: {  	_ =	shalt  }
0x7b: {  	_ =	shalt  }
0x7c: {  	_ =	shalt  }
0x7d: {  	_ =	shalt  }
0x7e: {  	_ =	shalt  }
0x7f: {  	_ =	shalt  }
0x80: {  	_ =	shalt  }
0x81: {  	_ =	shalt  }
0x82: {  	_ =	shalt  }
0x83: {  	_ =	shalt  }
0x84: {  	_ =	shalt  }
0x85: {  	_ =	shalt  }
0x86: {  	_ =	shalt  }
0x87: {  	_ =	shalt  }
.Lfunc_end0:
.L_simem_size_0:
called_computation_lowered:
.L_overlay_start_0:
0x88: {  	s2 =	sld [smem:$0x3FD9]  }
0x89: {  	s3 =	sld [smem:$0x3FFE];
	_ =	sdelay $0x1  }
0x8a: {  	s1 =	srdreg.scid  }
0x8b: {  	s0 =	sand.u32 $0x1, s1  }
0x8c: {  	s14 =	sshll.u32 s0, $0xA;
	s2 =	sadd.s32 s3, s2  }
0x8d: {  	s2 =	sadd.s32 s2, s14  }
0x8e: {  	[smem:$0x3FC1] =	sst s2  }
0x8f: {  	_ = 	snop  }
0x90: {  	s2 =	sld [smem:$0x3FD0];
	_ =	sdelay $0x2  }
0x91: {  	s15 =	simm.s32 $0xA;
	s4 =	simm.s32 $0x10  }
0x92: {  	[smem:s4], [sflag:s15] =	dma.local [hbm:s2], $0x1  }
0x93: {  	_ =	swait.eq [sflag:s15], $0x1  }
0x94: {  	[sflag:s15] =	ssyncset.done $0x0  }
0x95: {  	s16 =	sld [smem:$0x10];
	[sflag:s15] =	ssyncadd.s32 $0xFFFFFFFF  }
0x96: {  	s17 =	sld [smem:$0x11];
	(tm) =	ssettm $0x1  }
0x97: {  	s18 =	sld [smem:$0x3FFB];
	_ =	sdelay $0x3  }
0x98: {  	_ =	strace s18  }
0x99: {  	s4 =	sld [smem:$0x3FFC];
	_ =	sdelay $0x3  }
0x9a: {  	_ =	strace s4  }
0x9b: {  	s4 =	sld [smem:$0x3FFD];
	_ =	sdelay $0x3  }
0x9c: {  	_ =	strace s4  }
0x9d: {  	_ =	strace $0x8FFFFFFF  }
0x9e: {  	s19 =	sld [smem:$0x3FDB];
	_ =	sdelay $0x1  }
0x9f: {  	s5 =	simm.s32 $_scs_section_size  }
0xa0: {  	s6 =	simm.s32 $_size__tile_overlayer_lowered;
	s7 =	simm.s32 $_tile_overlayer_lowered  }
0xa1: {  	s22 =	simm.s32 $0x1BFF;
	s21 =	sshll.u32 s7, $0x1;
	s4 =	sadd.s32 s5, s19  }
0xa2: {  	s8 =	simm.s32 $0x0;
	s20 =	sshll.u32 s6, $0x1;
	s6 =	sadd.s32 s21, s4  }
0xa3: {  	[timem:s8], [sflag:s22] =	dma.local [hbm:s6], s20  }
0xa4: {  	_ =	swait.ge [sflag:s22], s20  }
0xa5: {  	s5 =	ssub.s32 $0x0, s20;
	[sflag:s22] =	ssyncset.done $0x0  }
0xa6: {  	[sflag:s22] =	ssyncadd.s32 s5;
	_ =	sdelay $0x1  }
0xa7: {  	s23 =	simm.s32 $0x1B8B  }
0xa8: {  	_ =	swait.ge [sflag:s23], $0x1  }
0xa9: {  	[sflag:s23] =	ssyncset.done $0x0  }
0xaa: {  	s25 =	simm.s32 $0x1B8E;
	s24 =	sld [smem:$0x3FFE];
	[sflag:s23] =	ssyncadd.s32 $0xFFFFFFFF  }
0xab: {  	s26 =	simm.s32 $execute0_lowered;
	[smem:$0x3FD2] =	sst s25  }
0xac: {  	s6 =	sshll.u32 s26, $0x1;
	_ =	strace $0x80000046;
	[dreg:$0x1] =	wrdreg $0xFFFFFFFF  }
0xad: {  	s28 =	simm.s32 $_size_execute0_lowered;
	s4 =	sadd.s32 s4, s6;
	[dreg:$0x0] =	wrdreg $0x0  }
0xae: {  	s6 =	sshll.u32 s28, $0x1;
	[dreg:$0x2] =	wrdreg s4  }
0xaf: {  	[dreg:$0x3] =	wrdreg s6  }
0xb0: {  	[dreg:$0x4] =	wrdreg $0xC0  }
0xb1: {  	_ =	task [dreg:s8], $0x5FFFF  }
0xb2: {  	[dreg:$0x1] =	wrdreg $0xFFFFFFFF  }
0xb3: {  	[dreg:$0x0] =	wrdreg $0x60  }
0xb4: {  	[dreg:$0x2] =	wrdreg s24  }
0xb5: {  	[dreg:$0x3] =	wrdreg s16  }
0xb6: {  	[dreg:$0x4] =	wrdreg s17  }
0xb7: {  	[dreg:$0x5] =	wrdreg $0xC1800  }
0xb8: {  	[dreg:$0x6] =	wrdreg $0x9  }
0xb9: {  	_ =	task.clear_ibuf [dreg:s8], $0x7FFFF;
	_ =	strace $0x90000046  }
0xba: {  	s29 =	simm.s32 $0x9;
	_ =	strace $0x80000048  }
0xbb: {  	_ =	swait.ge [sflag:s29], $0x1  }
0xbc: {  	[sflag:s29] =	ssyncadd.s32 $0xFFFFFFFF  }
0xbd: {  	_ =	strace $0x90000048  }
0xbe: {  	_ =	sfence  }
0xbf: {  	s30 =	sld [smem:$0x0];
	_ =	sdelay $0x2  }
0xc0: {  	s31 =	sshll.u32 s1, $0xD;
	s1 =	sshrl.u32 s1, $0x2  }
0xc1: {  	s3 =	sand.u32 $0x4000, s31;
	s1 =	sadd.s32 s1, s30  }
0xc2: {  	s0 =	sor.u32 s3, s0;
	s1 =	sshll.u32 s1, $0x11  }
0xc3: {  	s0 =	sor.u32 s1, s0  }
0xc4: {  	s0 =	sadd.s32 $0x8F2B, s0  }
0xc5: {  	[sflag:s0] =	ssyncadd.remote.s32 $0x1  }
0xc6: {  	_ =	sfence.sel $0xFFFF  }
0xc7: {  	[dreg:$0x0] =	wrdreg $0xFFFFFFFF;
	(pc) =	sbr.abs _section_cstart, $3  }
0xc8: {  	[dreg:$0x1] =	wrdreg $0xFFFFFFFF  }
0xc9: {  	_ =	task.clear_ibuf [dreg:s8], $0x2FFFF;
	_ =	strace $0x9FFFFFFF  }
0xca: {  	(tm) =	ssettm $0x7FFFFFFF  }
0xcb: {  	_ =	shalt  }
tec
execute0_lowered:
.L_overlay_start_1:
0x0: {  	(tag) =	ssettag $0x1  }
0x1: {  	s0 =	rddreg [dreg:$0x0]  }
0x2: {  	s1 =	rddreg [dreg:$0x1]  }
0x3: {  	s14 =	rddreg [dreg:$0x2]  }
0x4: {  	s15 =	rddreg [dreg:$0x3];
	s4 =	simm.s32 $0x0  }
0x5: {  	s2 =	srdreg.scid;
	s5 =	stileid.u32;
	s28 =	simm.s32 $0x40  }
0x6: {  	s19 =	simm.s32 $0x5;
	[smem:$0x7FF] =	sst s4;
	s6 =	sadd.s32 $0x16A00, s0  }
0x7: {  	s21 =	simm.s32 $0x3;
	s7 =	sadd.s32 $0xA01E00, s0;
	s8 =	sadd.s32 $0x9EE400, s0  }
0x8: {  	s2 =	sand.u32 $0x1, s2;
	s3 =	smul.u32 $0x4E000, s5;
	s9 =	sadd.s32 $0x9DAA00, s0  }
0x9: {  	s10 =	sadd.s32 $0x3000, s0;
	s0 =	sadd.s32 $0xA50000, s0;
	s22 =	smul.u32 $0x2700, s5  }
0xa: {  	s18 =	sadd.s32 $0x400, s14;
	p0 =	sne.s32 s5, $0xF;
	s14 =	simm.s32 $0x1  }
0xb: {  	_ =	strace $0x80000047;
	s11 =	ssub.s32 $0x2, s2;
	s24 =	smul.u32 $0x138800, s2  }
0xc: {  	s25 =	smul.u32 $0x27100, s2;
	s12 =	sshrl.u32 s11, $0x1;
	s3 =	sshrl.u32 s3, $0x2  }
0xd: {  	s17 =	smul.u32 $0x9C4, s2;
	s11 =	ssub.s32 s11, s12;
	s13 =	sadd.s32 s3, s15  }
0xe: {  	s15 =	sadd.s32 $0x138000, s15;
	s26 =	sshrl.u32 s24, $0x3;
	s29 =	sadd.s32 s22, s25  }
0xf: {  	s22 =	simm.s32 $0x7;
	s24 =	simm.s32 $0xC080;
	[dreg:$0x5] =	wrdreg s13  }
0x10: {  	s25 =	simm.s32 $0xC100;
	s3 =	sadd.s32 $0x4000, s13;
	[dreg:$0xa] =	wrdreg s15  }
0x11: {  	s23 =	sadd.s32 $0x8000, s13;
	s16 =	sadd.s32 $0xC000, s13;
	[dreg:$0x6] =	wrdreg s3  }
0x12: {  	s13 =	sadd.s32 $0x10000, s13;
	s2 =	sadd.s32 s0, s26;
	[dreg:$0x7] =	wrdreg s23  }
.Ltmp0:
0x13: {  	s0 =	sadd.s32 s0, s29;
	[dreg:$0x8] =	wrdreg s16;
	(pc) =	sbr.rel .LBB2_1-.Ltmp0, $4  }
0x14: {  	s31 =	smax.u32 s11, $0x1;
	s26 =	simm.s32 $0x2;
	[dreg:$0x9] =	wrdreg s13  }
0x15: {  	s15 =	simm.s32 $0x4;
	s11 =	simm.s32 $0x6;
	[dreg:$0xb] =	wrdreg s0  }
0x16: {  	s30 =	sadd.s32 $0x27000, s2;
	[dreg:$0xd] =	wrdreg s31;
	s23 =	simm.s32 $0xC000  }
0x17: {  	v0 =	vimm.f32 $0.0e+00;
	s16 =	simm.s32 $0x80;
	s3 =	simm.s32 $0x0;
	[dreg:$0xc] =	wrdreg s30  }
.LBB2_11:
0x18: {  	[bflag:$0x0] =	sbarrier.arrive $0xFFFF  }
0x19: {  	s0 =	sshll.u32 s5, $0x6;
	s2 =	rddreg [dreg:$0x5]  }
0x1a: {  	s0 =	sor.u32 $0x1C07, s0;
	s3 =	rddreg [dreg:$0xb];
	s2 =	sshrl.u32 s2, $0x3  }
0x1b: {  	[hbm:s3], [sflag:s0] =	dma.local [spmem:s2], $0x2700  }
0x1c: {  	_ =	swait.ge [sflag:s22], $0x2700  }
0x1d: {  	[sflag:s22] =	ssyncset.done $0x0;
	s2 =	rddreg [dreg:$0xa]  }
0x1e: {  	s3 =	rddreg [dreg:$0xc];
	[sflag:s22] =	ssyncadd.s32 $0xFFFFD900;
	s2 =	sshrl.u32 @!p0 s2, $0x3  }
0x1f: {  	[hbm:s3], [sflag:s0] =	dma.local @!p0 [spmem:s2], $0x100  }
0x20: {  	s0 =	simm.s32 @!p0 $0x7  }
0x21: {  	_ =	swait.ge @!p0 [sflag:s0], $0x100  }
0x22: {  	s30 =	rddreg [dreg:$0xe]  }
0x23: {  	s31 =	rddreg [dreg:$0xd];
	s3 =	sadd.s32 $0x1, s30  }
0x24: {  	p1 =	sne.s32 s3, s31  }
.Ltmp1:
0x25: {  	_ = 	snop;
	(pc) =	sbr.rel @!p1 .LBB2_12-.Ltmp1, $3  }
0x26: {  	_ =	sdelay $0x1  }
0x27: {  	[sflag:s0] =	ssyncset.done @!p0 $0x0  }
0x28: {  	[sflag:s0] =	ssyncadd.s32 @!p0 $0xFFFFFF00  }
.LBB2_1:
0x29: {  	s0 =	simm.s32 $0x100  }
0x2a: {  	[tilespmem:s0+$0xFFFFFF00] =	vst v0  }
0x2b: {  	[tilespmem:s0+$0xF0] =	vst v0  }
0x2c: {  	[tilespmem:s0+$0xE0] =	vst v0  }
0x2d: {  	[tilespmem:s0+$0xD0] =	vst v0  }
0x2e: {  	[tilespmem:s0+$0xC0] =	vst v0  }
0x2f: {  	[tilespmem:s0+$0xB0] =	vst v0  }
0x30: {  	[tilespmem:s0+$0xA0] =	vst v0  }
0x31: {  	[tilespmem:s0+$0x90] =	vst v0  }
0x32: {  	[tilespmem:s0+$0x80] =	vst v0  }
0x33: {  	[tilespmem:s0+$0x70] =	vst v0  }
0x34: {  	[tilespmem:s0+$0x60] =	vst v0  }
0x35: {  	[tilespmem:s0+$0x50] =	vst v0  }
0x36: {  	[tilespmem:s0+$0x40] =	vst v0  }
0x37: {  	[tilespmem:s0+$0x30] =	vst v0  }
0x38: {  	[tilespmem:s0+$0x20] =	vst v0  }
0x39: {  	[tilespmem:s0+$0x10] =	vst v0  }
0x3a: {  	[tilespmem:s0+$0x0] =	vst v0  }
0x3b: {  	[tilespmem:s0+$0xFFFFFFF0] =	vst v0  }
0x3c: {  	[tilespmem:s0+$0xFFFFFFE0] =	vst v0  }
0x3d: {  	[tilespmem:s0+$0xFFFFFFD0] =	vst v0  }
0x3e: {  	[tilespmem:s0+$0xFFFFFFC0] =	vst v0  }
0x3f: {  	[tilespmem:s0+$0xFFFFFFB0] =	vst v0  }
0x40: {  	[tilespmem:s0+$0xFFFFFFA0] =	vst v0  }
0x41: {  	[tilespmem:s0+$0xFFFFFF90] =	vst v0  }
0x42: {  	[tilespmem:s0+$0xFFFFFF80] =	vst v0  }
0x43: {  	[tilespmem:s0+$0xFFFFFF70] =	vst v0  }
0x44: {  	[tilespmem:s0+$0xFFFFFF60] =	vst v0  }
0x45: {  	[tilespmem:s0+$0xFFFFFF50] =	vst v0  }
0x46: {  	[tilespmem:s0+$0xFFFFFF40] =	vst v0  }
0x47: {  	[tilespmem:s0+$0xFFFFFF30] =	vst v0  }
0x48: {  	s2 =	simm.s32 $0x0;
	[tilespmem:s0+$0xFFFFFF20] =	vst v0  }
.LBB2_2:
0x49: {  	s2 =	sadd.s32 $0x4, s2;
	[tilespmem:s0+$0xFFFFFF10] =	vst v0;
	s0 =	sadd.s32 $0x200, s0  }
0x4a: {  	[tilespmem:s0+$0xFFFFFF00] =	vst v0;
	p1 =	slt.u32 s2, $0x7C  }
0x4b: {  	[tilespmem:s0+$0xF0] =	vst v0  }
0x4c: {  	[tilespmem:s0+$0xE0] =	vst v0  }
0x4d: {  	[tilespmem:s0+$0xD0] =	vst v0  }
0x4e: {  	[tilespmem:s0+$0xC0] =	vst v0  }
0x4f: {  	[tilespmem:s0+$0xB0] =	vst v0  }
0x50: {  	[tilespmem:s0+$0xA0] =	vst v0  }
0x51: {  	[tilespmem:s0+$0x90] =	vst v0  }
0x52: {  	[tilespmem:s0+$0x80] =	vst v0  }
0x53: {  	[tilespmem:s0+$0x70] =	vst v0  }
0x54: {  	[tilespmem:s0+$0x60] =	vst v0  }
0x55: {  	[tilespmem:s0+$0x50] =	vst v0  }
0x56: {  	[tilespmem:s0+$0x40] =	vst v0  }
0x57: {  	[tilespmem:s0+$0x30] =	vst v0  }
0x58: {  	[tilespmem:s0+$0x20] =	vst v0  }
0x59: {  	[tilespmem:s0+$0x10] =	vst v0  }
0x5a: {  	[tilespmem:s0+$0x0] =	vst v0  }
0x5b: {  	[tilespmem:s0+$0xFFFFFFF0] =	vst v0  }
0x5c: {  	[tilespmem:s0+$0xFFFFFFE0] =	vst v0  }
0x5d: {  	[tilespmem:s0+$0xFFFFFFD0] =	vst v0  }
0x5e: {  	[tilespmem:s0+$0xFFFFFFC0] =	vst v0  }
0x5f: {  	[tilespmem:s0+$0xFFFFFFB0] =	vst v0  }
0x60: {  	[tilespmem:s0+$0xFFFFFFA0] =	vst v0  }
0x61: {  	[tilespmem:s0+$0xFFFFFF90] =	vst v0  }
0x62: {  	[tilespmem:s0+$0xFFFFFF80] =	vst v0  }
0x63: {  	[tilespmem:s0+$0xFFFFFF70] =	vst v0  }
.Ltmp2:
0x64: {  	[tilespmem:s0+$0xFFFFFF60] =	vst v0;
	(pc) =	sbr.rel @p1 .LBB2_2-.Ltmp2, $4  }
0x65: {  	[tilespmem:s0+$0xFFFFFF50] =	vst v0  }
0x66: {  	[tilespmem:s0+$0xFFFFFF40] =	vst v0  }
0x67: {  	[tilespmem:s0+$0xFFFFFF30] =	vst v0  }
0x68: {  	[tilespmem:s0+$0xFFFFFF20] =	vst v0  }
0x69: {  	[dreg:$0xe] =	wrdreg s3  }
0x6a: {  	[tilespmem:s0+$0xFFFFFF10] =	vst v0  }
0x6b: {  	s0 =	rddreg [dreg:$0x5]  }
0x6c: {  	[spmem:s0] =	stream.linear.scatter [tilespmem:s4], [sflag:$0x7], $0x4000, $0x38;
	[tilespmem:$0x1FA00] =	vst v63  }
0x6d: {  	_ =	swait.ge [sflag:s22], $0x4000  }
0x6e: {  	[sflag:s22] =	ssyncset.done $0x0  }
0x6f: {  	s20 =	rddreg [dreg:$0x6];
	[sflag:s22] =	ssyncadd.s32 $0xFFFFC000  }
0x70: {  	[spmem:s20] =	stream.linear.scatter [tilespmem:s4], [sflag:$0x7], $0x4000, $0x38;
	[tilespmem:$0x1FA00] =	vst v63  }
0x71: {  	_ =	swait.ge [sflag:s22], $0x4000  }
0x72: {  	[sflag:s22] =	ssyncset.done $0x0  }
0x73: {  	s29 =	rddreg [dreg:$0x7];
	[sflag:s22] =	ssyncadd.s32 $0xFFFFC000  }
0x74: {  	[spmem:s29] =	stream.linear.scatter [tilespmem:s4], [sflag:$0x7], $0x4000, $0x38;
	[tilespmem:$0x1FA00] =	vst v63  }
0x75: {  	_ =	swait.ge [sflag:s22], $0x4000  }
0x76: {  	[sflag:s22] =	ssyncset.done $0x0  }
0x77: {  	s30 =	rddreg [dreg:$0x8];
	[sflag:s22] =	ssyncadd.s32 $0xFFFFC000  }
0x78: {  	[spmem:s30] =	stream.linear.scatter [tilespmem:s4], [sflag:$0x7], $0x4000, $0x38;
	[tilespmem:$0x1FA00] =	vst v63  }
0x79: {  	_ =	swait.ge [sflag:s22], $0x4000  }
0x7a: {  	[sflag:s22] =	ssyncset.done $0x0  }
0x7b: {  	s31 =	rddreg [dreg:$0x9];
	[sflag:s22] =	ssyncadd.s32 $0xFFFFC000  }
0x7c: {  	[spmem:s31] =	stream.linear.scatter [tilespmem:s4], [sflag:$0x7], $0x3800, $0x38;
	[tilespmem:$0x1FA00] =	vst v63  }
0x7d: {  	_ =	swait.ge [sflag:s22], $0x3800  }
0x7e: {  	[sflag:s22] =	ssyncset.done $0x0  }
0x7f: {  	s0 =	simm.s32 @!p0 $0x0;
	s2 =	rddreg [dreg:$0xa];
	[sflag:s22] =	ssyncadd.s32 $0xFFFFC800  }
0x80: {  	[spmem:s2] =	stream.linear.scatter @!p0 [tilespmem:s0], [sflag:$0x7], $0x800, $0x38;
	[tilespmem:$0x1FA00] =	vst v63  }
0x81: {  	s0 =	simm.s32 @!p0 $0x7  }
.Ltmp3:
0x82: {  	_ =	swait.ge @!p0 [sflag:s0], $0x800;
	(pc) =	sbr.rel .LBB2_4-.Ltmp3, $4  }
0x83: {  	[sflag:s0] =	ssyncset.done @!p0 $0x0  }
0x84: {  	[sflag:s0] =	ssyncadd.s32 @!p0 $0xFFFFF800  }
0x85: {  	[bflag:$0x0] =	sbarrier.arrive $0xFFFF  }
0x86: {  	s2 =	simm.s32 $0x0  }
.LBB2_10:
0x87: {  	s2 =	sadd.s32 $0x1, s2  }
0x88: {  	p1 =	sne.s32 s2, $0x9D  }
.Ltmp4:
0x89: {  	_ = 	snop;
	(pc) =	sbr.rel @!p1 .LBB2_11-.Ltmp4, $1  }
0x8a: {  	_ =	sdelay $0x3  }
.LBB2_4:
0x8b: {  	s0 =	sshll.u32 s2, $0x4  }
0x8c: {  	s0 =	sor.u32 s5, s0  }
0x8d: {  	p1 =	sgt.u32 s0, $0x9C3  }
.Ltmp5:
0x8e: {  	_ = 	snop;
	(pc) =	sbr.rel @p1 .LBB2_10-.Ltmp5, $1  }
0x8f: {  	_ =	sdelay $0x3  }
0x90: {  	s0 =	sadd.s32 s17, s0  }
0x91: {  	s3 =	sshll.u32 s0, $0xB  }
0x92: {  	s0 =	sshll.u32 s0, $0x4;
	s12 =	sadd.s32 s6, s3  }
0x93: {  	[tilespmem:s4], [sflag:$0x1] =	stream.linear.gather [hbm4b:s12+s4], $0x4000, $0x38;
	[tilespmem:$0x1FA00] =	vst v63  }
0x94: {  	s20 =	sadd.s32 s8, s0  }
0x95: {  	[tilespmem:s23], [sflag:$0x2] =	stream.linear.gather [hbm4b:s20+s4], $0x80, $0x38;
	[tilespmem:$0x1FA00] =	vst v63  }
0x96: {  	s13 =	sadd.s32 s9, s0  }
0x97: {  	[tilespmem:s24], [sflag:$0x2] =	stream.linear.gather [hbm4b:s13+s4], $0x80, $0x38;
	[tilespmem:$0x1FA00] =	vst v63  }
0x98: {  	s0 =	sadd.s32 s10, s0  }
0x99: {  	[tilespmem:s25], [sflag:$0x3] =	stream.linear.gather [hbm4b:s0+s4], $0x80, $0x38;
	[tilespmem:$0x1FA00] =	vst v63  }
0x9a: {  	_ =	swait.ge [sflag:s26], $0x80  }
0x9b: {  	[sflag:s26] =	ssyncset.done $0x0  }
0x9c: {  	[sflag:s26] =	ssyncadd.s32 $0xFFFFFF80  }
0x9d: {  	_ =	swait.ge [sflag:s26], $0x80  }
0x9e: {  	[sflag:s26] =	ssyncset.done $0x0  }
0x9f: {  	s20 =	simm.s32 $0x4000;
	[sflag:s26] =	ssyncadd.s32 $0xFFFFFF80  }
0xa0: {  	[tilespmem:s20], [sflag:$0x4] =	stream.indirect.gather [hbm4b:s1+s28], $0x80, s23, s28, $0xb8;
	[tilespmem:$0x1FA00] =	vst v63  }
0xa1: {  	s12 =	simm.s32 $0x8000  }
0xa2: {  	[tilespmem:s12], [sflag:$0x4] =	stream.indirect.gather [hbm4b:s7+s28], $0x80, s24, s28, $0xb8;
	[tilespmem:$0x1FA00] =	vst v63  }
0xa3: {  	s13 =	simm.s32 $0xC040;
	s20 =	simm.s32 $0x6000  }
0xa4: {  	[tilespmem:s20], [sflag:$0x5] =	stream.indirect.gather [hbm4b:s1+s28], $0x80, s13, s28, $0xb8;
	[tilespmem:$0x1FA00] =	vst v63  }
0xa5: {  	s12 =	simm.s32 $0xC0C0;
	s13 =	simm.s32 $0xA000  }
0xa6: {  	[tilespmem:s13], [sflag:$0x5] =	stream.indirect.gather [hbm4b:s7+s28], $0x80, s12, s28, $0xb8;
	[tilespmem:$0x1FA00] =	vst v63  }
0xa7: {  	_ =	swait.ge [sflag:s14], $0x4000  }
0xa8: {  	[sflag:s14] =	ssyncset.done $0x0  }
0xa9: {  	[sflag:s14] =	ssyncadd.s32 $0xFFFFC000  }
0xaa: {  	_ =	swait.ge [sflag:s15], $0x2000  }
0xab: {  	[sflag:s15] =	ssyncset.done $0x0  }
0xac: {  	[sflag:s15] =	ssyncadd.s32 $0xFFFFE000  }
0xad: {  	_ =	swait.ge [sflag:s15], $0x2000  }
0xae: {  	[sflag:s15] =	ssyncset.done $0x0  }
0xaf: {  	s29 =	simm.s32 $0x100;
	[sflag:s15] =	ssyncadd.s32 $0xFFFFE000  }
0xb0: {  	s13 =	simm.s32 $0x4100;
	v1 =	vld [tilespmem:s29+$0x80]  }
0xb1: {  	s20 =	simm.s32 $0x8100;
	v2 =	vld [tilespmem:s13+$0x80]  }
0xb2: {  	v3 =	vld [tilespmem:s20+$0x80]  }
0xb3: {  	v4 =	vld [tilespmem:s20+$0xFFFFFF00]  }
0xb4: {  	v6 =	vld [tilespmem:s29+$0xFFFFFF80]  }
0xb5: {  	v8 =	vld [tilespmem:s13+$0xFFFFFF80]  }
0xb6: {  	s30 =	simm.s32 $0x300;
	v9 =	vld [tilespmem:s13+$0x0]  }
0xb7: {  	s31 =	simm.s32 $0x4300;
	v13 =	vld [tilespmem:s30+$0x80]  }
0xb8: {  	v14 =	vld [tilespmem:s31+$0x80]  }
0xb9: {  	v16 =	vld [tilespmem:s30+$0xFFFFFF80];
	v1 =	vadd.f32 v2, v1  }
0xba: {  	v17 =	vld [tilespmem:s31+$0xFFFFFF80]  }
0xbb: {  	v2 =	vld [tilespmem:s13+$0xFFFFFF00];
	v1 =	vadd.f32 v3, v1  }
0xbc: {  	s0 =	simm.s32 $0x8300;
	v3 =	vld [tilespmem:s29+$0xFFFFFF00]  }
0xbd: {  	v18 =	vld [tilespmem:s0+$0x0];
	v1 =	vmax.f32 v1, $0.0e+00  }
0xbe: {  	[tilespmem:s29+$0x80] =	vst v1;
	v1 =	vld [tilespmem:s29+$0x90]  }
0xbf: {  	v5 =	vld [tilespmem:s13+$0x90]  }
0xc0: {  	v7 =	vld [tilespmem:s20+$0x90]  }
0xc1: {  	v2 =	vadd.f32 v2, v3;
	v3 =	vld [tilespmem:s29+$0x0]  }
0xc2: {  	v19 =	vld [tilespmem:s30+$0xFFFFFF90]  }
0xc3: {  	v38 =	vld [tilespmem:s30+$0x10]  }
0xc4: {  	v2 =	vadd.f32 v4, v2;
	v4 =	vld [tilespmem:s20+$0xFFFFFF80];
	v1 =	vadd.f32 v5, v1  }
0xc5: {  	v5 =	vld [tilespmem:s29+$0xFFFFFF10]  }
0xc6: {  	v2 =	vmax.f32 v2, $0.0e+00;
	v3 =	vadd.f32 v9, v3;
	v9 =	vld [tilespmem:s29+$0x10];
	v1 =	vadd.f32 v7, v1  }
0xc7: {  	[tilespmem:s29+$0xFFFFFF00] =	vst v2;
	v7 =	vld [tilespmem:s20+$0x0]  }
0xc8: {  	v2 =	vld [tilespmem:s13+$0xFFFFFF10];
	v1 =	vmax.f32 v1, $0.0e+00  }
0xc9: {  	v10 =	vld [tilespmem:s20+$0xFFFFFF10];
	[tilespmem:s29+$0x90] =	vst v1;
	v1 =	vadd.f32 v8, v6  }
0xca: {  	v6 =	vld [tilespmem:s29+$0xA0]  }
0xcb: {  	v8 =	vld [tilespmem:s13+$0xA0];
	v1 =	vadd.f32 v4, v1  }
0xcc: {  	v4 =	vld [tilespmem:s29+$0xFFFFFF90];
	v3 =	vadd.f32 v7, v3  }
0xcd: {  	v7 =	vld [tilespmem:s20+$0xA0];
	v2 =	vadd.f32 v2, v5;
	v1 =	vmax.f32 v1, $0.0e+00  }
0xce: {  	v5 =	vld [tilespmem:s29+$0xFFFFFF20];
	[tilespmem:s29+$0xFFFFFF80] =	vst v1;
	v1 =	vmax.f32 v3, $0.0e+00  }
0xcf: {  	v3 =	vld [tilespmem:s13+$0xFFFFFF90];
	[tilespmem:s29+$0x0] =	vst v1;
	v1 =	vadd.f32 v10, v2  }
0xd0: {  	v2 =	vadd.f32 v8, v6;
	v8 =	vld [tilespmem:s20+$0xFFFFFF90]  }
0xd1: {  	v6 =	vld [tilespmem:s13+$0x10];
	v1 =	vmax.f32 v1, $0.0e+00  }
0xd2: {  	v2 =	vadd.f32 v7, v2;
	v7 =	vld [tilespmem:s20+$0x10];
	[tilespmem:s29+$0xFFFFFF10] =	vst v1  }
0xd3: {  	v1 =	vld [tilespmem:s13+$0xFFFFFF20]  }
0xd4: {  	v2 =	vmax.f32 v2, $0.0e+00;
	v10 =	vld [tilespmem:s20+$0xFFFFFF20]  }
0xd5: {  	[tilespmem:s29+$0xA0] =	vst v2;
	v2 =	vadd.f32 v3, v4;
	v3 =	vld [tilespmem:s29+$0xB0]  }
0xd6: {  	v4 =	vadd.f32 v6, v9;
	v6 =	vld [tilespmem:s13+$0xB0]  }
0xd7: {  	v9 =	vld [tilespmem:s29+$0xFFFFFFA0];
	v2 =	vadd.f32 v8, v2  }
0xd8: {  	v8 =	vld [tilespmem:s29+$0x20]  }
0xd9: {  	v4 =	vadd.f32 v7, v4;
	v7 =	vld [tilespmem:s20+$0xB0];
	v2 =	vmax.f32 v2, $0.0e+00;
	v1 =	vadd.f32 v1, v5  }
0xda: {  	v5 =	vld [tilespmem:s29+$0xFFFFFF30];
	[tilespmem:s29+$0xFFFFFF90] =	vst v2  }
0xdb: {  	v2 =	vmax.f32 v4, $0.0e+00;
	v4 =	vld [tilespmem:s13+$0xFFFFFFA0];
	v1 =	vadd.f32 v10, v1  }
0xdc: {  	[tilespmem:s29+$0x10] =	vst v2;
	v2 =	vadd.f32 v6, v3;
	v6 =	vld [tilespmem:s20+$0xFFFFFFA0]  }
0xdd: {  	v3 =	vld [tilespmem:s13+$0x20];
	v1 =	vmax.f32 v1, $0.0e+00  }
0xde: {  	v2 =	vadd.f32 v7, v2;
	v7 =	vld [tilespmem:s20+$0x20];
	[tilespmem:s29+$0xFFFFFF20] =	vst v1  }
0xdf: {  	v1 =	vld [tilespmem:s13+$0xFFFFFF30]  }
0xe0: {  	v2 =	vmax.f32 v2, $0.0e+00;
	v10 =	vld [tilespmem:s20+$0xFFFFFF30]  }
0xe1: {  	[tilespmem:s29+$0xB0] =	vst v2;
	v2 =	vadd.f32 v4, v9;
	v4 =	vld [tilespmem:s29+$0xC0]  }
0xe2: {  	v9 =	vld [tilespmem:s29+$0xFFFFFFB0];
	v3 =	vadd.f32 v3, v8  }
0xe3: {  	v8 =	vld [tilespmem:s13+$0xC0];
	v2 =	vadd.f32 v6, v2  }
0xe4: {  	v6 =	vld [tilespmem:s20+$0xC0];
	v3 =	vadd.f32 v7, v3  }
0xe5: {  	v7 =	vld [tilespmem:s29+$0x30];
	v2 =	vmax.f32 v2, $0.0e+00;
	v1 =	vadd.f32 v1, v5  }
0xe6: {  	v5 =	vld [tilespmem:s29+$0xFFFFFF40];
	[tilespmem:s29+$0xFFFFFFA0] =	vst v2;
	v2 =	vmax.f32 v3, $0.0e+00  }
0xe7: {  	[tilespmem:s29+$0x20] =	vst v2;
	v1 =	vadd.f32 v10, v1;
	v2 =	vld [tilespmem:s13+$0xFFFFFFB0]  }
0xe8: {  	v3 =	vadd.f32 v8, v4;
	v4 =	vld [tilespmem:s13+$0x30]  }
0xe9: {  	v8 =	vld [tilespmem:s20+$0xFFFFFFB0];
	v1 =	vmax.f32 v1, $0.0e+00  }
0xea: {  	v3 =	vadd.f32 v6, v3;
	[tilespmem:s29+$0xFFFFFF30] =	vst v1;
	v1 =	vld [tilespmem:s20+$0x30]  }
0xeb: {  	v6 =	vld [tilespmem:s13+$0xFFFFFF40]  }
0xec: {  	v3 =	vmax.f32 v3, $0.0e+00;
	v10 =	vld [tilespmem:s20+$0xFFFFFF40];
	v2 =	vadd.f32 v2, v9  }
0xed: {  	[tilespmem:s29+$0xC0] =	vst v3;
	v3 =	vadd.f32 v4, v7;
	v4 =	vld [tilespmem:s29+$0xD0]  }
0xee: {  	v7 =	vld [tilespmem:s13+$0xD0];
	v2 =	vadd.f32 v8, v2  }
0xef: {  	v9 =	vld [tilespmem:s29+$0xFFFFFFC0]  }
0xf0: {  	v1 =	vadd.f32 v1, v3;
	v3 =	vld [tilespmem:s20+$0xD0];
	v2 =	vmax.f32 v2, $0.0e+00  }
0xf1: {  	v8 =	vld [tilespmem:s29+$0x40];
	[tilespmem:s29+$0xFFFFFFB0] =	vst v2  }
0xf2: {  	v1 =	vmax.f32 v1, $0.0e+00;
	v2 =	vld [tilespmem:s13+$0xFFFFFFC0]  }
0xf3: {  	[tilespmem:s29+$0x30] =	vst v1;
	v4 =	vadd.f32 v7, v4;
	v7 =	vld [tilespmem:s20+$0xFFFFFFC0]  }
0xf4: {  	v5 =	vadd.f32 v6, v5;
	v1 =	vld [tilespmem:s13+$0x40]  }
0xf5: {  	v6 =	vld [tilespmem:s20+$0x40];
	v3 =	vadd.f32 v3, v4  }
0xf6: {  	v5 =	vadd.f32 v10, v5;
	v4 =	vld [tilespmem:s29+$0xFFFFFF50]  }
0xf7: {  	v3 =	vmax.f32 v3, $0.0e+00;
	v2 =	vadd.f32 v2, v9;
	v9 =	vld [tilespmem:s29+$0xFFFFFFD0]  }
0xf8: {  	[tilespmem:s29+$0xD0] =	vst v3;
	v3 =	vmax.f32 v5, $0.0e+00;
	v5 =	vld [tilespmem:s29+$0xE0]  }
0xf9: {  	v1 =	vadd.f32 v1, v8;
	v8 =	vld [tilespmem:s29+$0x50];
	v2 =	vadd.f32 v7, v2  }
0xfa: {  	[tilespmem:s29+$0xFFFFFF40] =	vst v3;
	v3 =	vld [tilespmem:s13+$0xE0]  }
0xfb: {  	v1 =	vadd.f32 v6, v1;
	v6 =	vld [tilespmem:s13+$0xFFFFFF50];
	v2 =	vmax.f32 v2, $0.0e+00  }
0xfc: {  	[tilespmem:s29+$0xFFFFFFC0] =	vst v2;
	v2 =	vld [tilespmem:s20+$0xE0]  }
0xfd: {  	v10 =	vld [tilespmem:s20+$0xFFFFFF50];
	v1 =	vmax.f32 v1, $0.0e+00  }
0xfe: {  	v7 =	vld [tilespmem:s13+$0xFFFFFFD0];
	[tilespmem:s29+$0x40] =	vst v1  }
0xff: {  	v3 =	vadd.f32 v3, v5;
	v1 =	vld [tilespmem:s13+$0x50]  }
0x100: {  	v5 =	vld [tilespmem:s20+$0xFFFFFFD0]  }
0x101: {  	v11 =	vld [tilespmem:s20+$0x50];
	v2 =	vadd.f32 v2, v3;
	v3 =	vadd.f32 v6, v4  }
0x102: {  	v42 =	vld [tilespmem:s30+$0xFFFFFFA0]  }
0x103: {  	v43 =	vld [tilespmem:s30+$0x20];
	v6 =	vadd.f32 v7, v9;
	v3 =	vadd.f32 v10, v3  }
0x104: {  	v4 =	vld [tilespmem:s29+$0xFFFFFF60];
	v8 =	vadd.f32 v1, v8  }
0x105: {  	v7 =	vld [tilespmem:s29+$0xFFFFFFE0];
	v5 =	vadd.f32 v5, v6;
	v3 =	vmax.f32 v3, $0.0e+00  }
0x106: {  	v6 =	vadd.f32 v11, v8;
	v8 =	vld [tilespmem:s29+$0x60];
	[tilespmem:s29+$0xFFFFFF50] =	vst v3  }
0x107: {  	v3 =	vmax.f32 v5, $0.0e+00;
	v5 =	vld [tilespmem:s13+$0xFFFFFF60]  }
0x108: {  	[tilespmem:s29+$0xFFFFFFD0] =	vst v3;
	v3 =	vmax.f32 v6, $0.0e+00;
	v10 =	vld [tilespmem:s20+$0xFFFFFF60]  }
0x109: {  	v6 =	vld [tilespmem:s13+$0xFFFFFFE0];
	[tilespmem:s29+$0x50] =	vst v3  }
0x10a: {  	v3 =	vld [tilespmem:s13+$0x60]  }
0x10b: {  	v11 =	vld [tilespmem:s20+$0xFFFFFFE0]  }
0x10c: {  	v12 =	vld [tilespmem:s20+$0x60];
	v4 =	vadd.f32 v5, v4  }
0x10d: {  	v47 =	vld [tilespmem:s30+$0xFFFFFFB0]  }
0x10e: {  	v6 =	vadd.f32 v6, v7;
	v7 =	vadd.f32 v10, v4;
	v10 =	vld [tilespmem:s0+$0x80]  }
0x10f: {  	v48 =	vld [tilespmem:s30+$0x30];
	v3 =	vadd.f32 v3, v8  }
0x110: {  	v51 =	vld [tilespmem:s30+$0xFFFFFFC0];
	v6 =	vadd.f32 v11, v6  }
0x111: {  	v54 =	vld [tilespmem:s30+$0xFFFFFF50];
	v11 =	vadd.f32 v12, v3;
	v12 =	vadd.f32 v14, v13  }
0x112: {  	v55 =	vld [tilespmem:s30+$0xFFFFFFD0]  }
0x113: {  	v14 =	vld [tilespmem:s0+$0xFFFFFF00];
	v6 =	vmax.f32 v6, $0.0e+00;
	v10 =	vadd.f32 v10, v12  }
0x114: {  	[tilespmem:s29+$0xFFFFFFE0] =	vst v6;
	v6 =	vmax.f32 v11, $0.0e+00;
	v11 =	vld [tilespmem:s31+$0xFFFFFF00]  }
0x115: {  	v12 =	vld [tilespmem:s30+$0xFFFFFF00];
	v10 =	vmax.f32 v10, $0.0e+00  }
0x116: {  	[tilespmem:s30+$0x80] =	vst v10;
	v10 =	vld [tilespmem:s30+$0x90]  }
0x117: {  	v13 =	vld [tilespmem:s31+$0x90]  }
0x118: {  	v56 =	vld [tilespmem:s30+$0x50]  }
0x119: {  	v15 =	vld [tilespmem:s0+$0x90]  }
0x11a: {  	v58 =	vld [tilespmem:s30+$0xFFFFFF60];
	v11 =	vadd.f32 v11, v12  }
0x11b: {  	v1 =	vld [tilespmem:s29+$0xF0]  }
0x11c: {  	v12 =	vld [tilespmem:s30+$0x0];
	v11 =	vadd.f32 v14, v11;
	v10 =	vadd.f32 v13, v10  }
0x11d: {  	v13 =	vld [tilespmem:s31+$0x0]  }
0x11e: {  	v14 =	vld [tilespmem:s0+$0xFFFFFF80];
	v11 =	vmax.f32 v11, $0.0e+00;
	v10 =	vadd.f32 v15, v10  }
0x11f: {  	[tilespmem:s30+$0xFFFFFF00] =	vst v11;
	v15 =	vld [tilespmem:s30+$0xFFFFFF10]  }
0x120: {  	v11 =	vld [tilespmem:s31+$0xFFFFFF10];
	v10 =	vmax.f32 v10, $0.0e+00  }
0x121: {  	v16 =	vadd.f32 v17, v16;
	[tilespmem:s30+$0x90] =	vst v10;
	v10 =	vld [tilespmem:s30+$0xA0]  }
0x122: {  	v2 =	vmax.f32 v2, $0.0e+00;
	v12 =	vadd.f32 v13, v12;
	v13 =	vld [tilespmem:s0+$0xFFFFFF10]  }
0x123: {  	[tilespmem:s29+$0xE0] =	vst v2;
	v14 =	vadd.f32 v14, v16;
	v36 =	vld [tilespmem:s31+$0xA0]  }
0x124: {  	v2 =	vld [tilespmem:s13+$0xF0];
	v12 =	vadd.f32 v18, v12  }
0x125: {  	v14 =	vmax.f32 v14, $0.0e+00;
	v37 =	vld [tilespmem:s0+$0xA0];
	v11 =	vadd.f32 v11, v15  }
0x126: {  	[tilespmem:s30+$0xFFFFFF80] =	vst v14;
	v15 =	vld [tilespmem:s30+$0xFFFFFF20];
	v12 =	vmax.f32 v12, $0.0e+00  }
0x127: {  	v14 =	vld [tilespmem:s31+$0xFFFFFF90];
	[tilespmem:s30+$0x0] =	vst v12;
	v11 =	vadd.f32 v13, v11  }
0x128: {  	v10 =	vadd.f32 v36, v10;
	v12 =	vld [tilespmem:s31+$0x10]  }
0x129: {  	v13 =	vld [tilespmem:s0+$0xFFFFFF90];
	v11 =	vmax.f32 v11, $0.0e+00  }
0x12a: {  	v39 =	vld [tilespmem:s0+$0x10];
	v10 =	vadd.f32 v37, v10;
	[tilespmem:s30+$0xFFFFFF10] =	vst v11  }
0x12b: {  	v11 =	vld [tilespmem:s31+$0xFFFFFF20]  }
0x12c: {  	v14 =	vadd.f32 v14, v19;
	v41 =	vld [tilespmem:s0+$0xFFFFFF20];
	v10 =	vmax.f32 v10, $0.0e+00  }
0x12d: {  	[tilespmem:s30+$0xA0] =	vst v10;
	v10 =	vld [tilespmem:s30+$0xB0];
	v12 =	vadd.f32 v12, v38  }
0x12e: {  	v13 =	vadd.f32 v13, v14;
	v40 =	vld [tilespmem:s31+$0xB0]  }
0x12f: {  	v9 =	vld [tilespmem:s20+$0xF0];
	v12 =	vadd.f32 v39, v12  }
0x130: {  	v14 =	vld [tilespmem:s0+$0xB0];
	v13 =	vmax.f32 v13, $0.0e+00;
	v11 =	vadd.f32 v11, v15  }
0x131: {  	[tilespmem:s30+$0xFFFFFF90] =	vst v13;
	v15 =	vld [tilespmem:s30+$0xFFFFFF30];
	v12 =	vmax.f32 v12, $0.0e+00  }
0x132: {  	v13 =	vld [tilespmem:s31+$0xFFFFFFA0];
	[tilespmem:s30+$0x10] =	vst v12;
	v11 =	vadd.f32 v41, v11  }
0x133: {  	v10 =	vadd.f32 v40, v10;
	v12 =	vld [tilespmem:s31+$0x20]  }
0x134: {  	v44 =	vld [tilespmem:s0+$0x20];
	v11 =	vmax.f32 v11, $0.0e+00  }
0x135: {  	v10 =	vadd.f32 v14, v10;
	v14 =	vld [tilespmem:s0+$0xFFFFFFA0];
	[tilespmem:s30+$0xFFFFFF20] =	vst v11  }
0x136: {  	v11 =	vld [tilespmem:s31+$0xFFFFFF30]  }
0x137: {  	v46 =	vld [tilespmem:s0+$0xFFFFFF30];
	v10 =	vmax.f32 v10, $0.0e+00  }
0x138: {  	v13 =	vadd.f32 v13, v42;
	[tilespmem:s30+$0xB0] =	vst v10;
	v10 =	vld [tilespmem:s30+$0xC0]  }
0x139: {  	v12 =	vadd.f32 v12, v43;
	v45 =	vld [tilespmem:s31+$0xC0]  }
0x13a: {  	v59 =	vld [tilespmem:s30+$0xFFFFFFE0];
	v13 =	vadd.f32 v14, v13  }
0x13b: {  	v1 =	vadd.f32 v2, v1;
	v14 =	vld [tilespmem:s0+$0xC0];
	v12 =	vadd.f32 v44, v12  }
0x13c: {  	v5 =	vld [tilespmem:s29+$0xFFFFFF70];
	v11 =	vadd.f32 v11, v15;
	v13 =	vmax.f32 v13, $0.0e+00  }
0x13d: {  	v1 =	vadd.f32 v9, v1;
	v9 =	vld [tilespmem:s30+$0xFFFFFFF0];
	v12 =	vmax.f32 v12, $0.0e+00;
	[tilespmem:s30+$0xFFFFFFA0] =	vst v13  }
0x13e: {  	[tilespmem:s30+$0x20] =	vst v12;
	v11 =	vadd.f32 v46, v11;
	v10 =	vadd.f32 v45, v10;
	v12 =	vld [tilespmem:s31+$0xFFFFFFB0]  }
0x13f: {  	v13 =	vld [tilespmem:s31+$0x30]  }
0x140: {  	v11 =	vmax.f32 v11, $0.0e+00;
	v10 =	vadd.f32 v14, v10;
	v14 =	vld [tilespmem:s0+$0xFFFFFFB0]  }
0x141: {  	[tilespmem:s30+$0xFFFFFF30] =	vst v11;
	v11 =	vld [tilespmem:s0+$0x30]  }
0x142: {  	v15 =	vld [tilespmem:s30+$0xFFFFFF40];
	v10 =	vmax.f32 v10, $0.0e+00  }
0x143: {  	v49 =	vld [tilespmem:s31+$0xFFFFFF40];
	[tilespmem:s30+$0xC0] =	vst v10;
	v10 =	vadd.f32 v12, v47  }
0x144: {  	v12 =	vld [tilespmem:s30+$0xD0];
	v13 =	vadd.f32 v13, v48  }
0x145: {  	v50 =	vld [tilespmem:s31+$0xD0];
	v10 =	vadd.f32 v14, v10  }
0x146: {  	v52 =	vld [tilespmem:s0+$0xFFFFFF40];
	v11 =	vadd.f32 v11, v13  }
0x147: {  	v13 =	vld [tilespmem:s0+$0xD0];
	v10 =	vmax.f32 v10, $0.0e+00  }
0x148: {  	v14 =	vld [tilespmem:s30+$0x40];
	[tilespmem:s30+$0xFFFFFFB0] =	vst v10;
	v10 =	vmax.f32 v11, $0.0e+00  }
0x149: {  	v11 =	vld [tilespmem:s31+$0xFFFFFFC0];
	[tilespmem:s30+$0x30] =	vst v10  }
0x14a: {  	v10 =	vadd.f32 v50, v12;
	v12 =	vld [tilespmem:s31+$0x40]  }
0x14b: {  	v53 =	vld [tilespmem:s0+$0xFFFFFFC0]  }
0x14c: {  	v4 =	vld [tilespmem:s29+$0xFFFFFFF0];
	v10 =	vadd.f32 v13, v10  }
0x14d: {  	v15 =	vadd.f32 v49, v15;
	v13 =	vld [tilespmem:s0+$0x40]  }
0x14e: {  	v3 =	vld [tilespmem:s29+$0x70];
	v10 =	vmax.f32 v10, $0.0e+00;
	v11 =	vadd.f32 v11, v51  }
0x14f: {  	v7 =	vmax.f32 v7, $0.0e+00;
	[tilespmem:s30+$0xD0] =	vst v10;
	v10 =	vadd.f32 v52, v15;
	v12 =	vadd.f32 v12, v14;
	v14 =	vld [tilespmem:s30+$0xE0]  }
0x150: {  	[tilespmem:s29+$0xFFFFFF60] =	vst v7;
	v15 =	vld [tilespmem:s31+$0xE0];
	v11 =	vadd.f32 v53, v11  }
0x151: {  	v8 =	vld [tilespmem:s13+$0xFFFFFF70];
	v10 =	vmax.f32 v10, $0.0e+00  }
0x152: {  	v12 =	vadd.f32 v13, v12;
	[tilespmem:s30+$0xFFFFFF40] =	vst v10;
	v10 =	vmax.f32 v11, $0.0e+00;
	v11 =	vld [tilespmem:s0+$0xE0]  }
0x153: {  	v13 =	vld [tilespmem:s31+$0xFFFFFF50];
	[tilespmem:s30+$0xFFFFFFC0] =	vst v10  }
0x154: {  	v10 =	vmax.f32 v12, $0.0e+00;
	v12 =	vld [tilespmem:s31+$0xFFFFFFD0]  }
0x155: {  	[tilespmem:s30+$0x40] =	vst v10;
	v14 =	vadd.f32 v15, v14;
	v15 =	vld [tilespmem:s0+$0xFFFFFF50]  }
0x156: {  	v10 =	vld [tilespmem:s31+$0x50]  }
0x157: {  	v57 =	vld [tilespmem:s0+$0xFFFFFFD0];
	v11 =	vadd.f32 v11, v14  }
0x158: {  	v14 =	vld [tilespmem:s0+$0x50];
	v13 =	vadd.f32 v13, v54  }
0x159: {  	v63 =	vld [tilespmem:s20+$0xFFFFFF70];
	v11 =	vmax.f32 v11, $0.0e+00  }
0x15a: {  	v7 =	vld [tilespmem:s13+$0xFFFFFFF0];
	v12 =	vadd.f32 v12, v55;
	[tilespmem:s30+$0xE0] =	vst v11;
	v11 =	vadd.f32 v15, v13  }
0x15b: {  	v10 =	vadd.f32 v10, v56;
	v13 =	vld [tilespmem:s30+$0xF0]  }
0x15c: {  	v12 =	vadd.f32 v57, v12;
	v15 =	vld [tilespmem:s31+$0xF0];
	v11 =	vmax.f32 v11, $0.0e+00  }
0x15d: {  	v10 =	vadd.f32 v14, v10;
	v14 =	vld [tilespmem:s30+$0x60];
	[tilespmem:s30+$0xFFFFFF50] =	vst v11  }
0x15e: {  	v11 =	vmax.f32 v12, $0.0e+00;
	v12 =	vld [tilespmem:s31+$0xFFFFFF60]  }
0x15f: {  	[tilespmem:s30+$0xFFFFFFD0] =	vst v11;
	v10 =	vmax.f32 v10, $0.0e+00;
	v20 =	vld [tilespmem:s0+$0xFFFFFF60]  }
0x160: {  	v61 =	vld [tilespmem:s31+$0xFFFFFFE0];
	[tilespmem:s30+$0x50] =	vst v10  }
0x161: {  	v10 =	vld [tilespmem:s31+$0x60]  }
0x162: {  	v21 =	vld [tilespmem:s0+$0xFFFFFFE0]  }
0x163: {  	v2 =	vld [tilespmem:s0+$0x60]  }
0x164: {  	[tilespmem:s29+$0x60] =	vst v6;
	v60 =	vld [tilespmem:s0+$0xF0];
	v12 =	vadd.f32 v12, v58  }
0x165: {  	v6 =	vld [tilespmem:s13+$0x70];
	v62 =	vadd.f32 v61, v59  }
0x166: {  	v11 =	vld [tilespmem:s30+$0xFFFFFF70];
	v14 =	vadd.f32 v10, v14;
	v12 =	vadd.f32 v20, v12  }
0x167: {  	v1 =	vmax.f32 v1, $0.0e+00;
	v13 =	vadd.f32 v15, v13;
	v10 =	vld [tilespmem:s30+$0x70];
	v15 =	vadd.f32 v21, v62  }
0x168: {  	[tilespmem:s29+$0xF0] =	vst v1;
	v1 =	vmax.f32 v12, $0.0e+00;
	v2 =	vadd.f32 v2, v14;
	v12 =	vld [tilespmem:s20+$0xFFFFFFF0]  }
0x169: {  	v14 =	vadd.f32 v60, v13;
	v13 =	vld [tilespmem:s20+$0x70];
	[tilespmem:s30+$0xFFFFFF60] =	vst v1;
	v1 =	vmax.f32 v15, $0.0e+00  }
0x16a: {  	v15 =	vadd.f32 v8, v5;
	[tilespmem:s30+$0xFFFFFFE0] =	vst v1;
	v8 =	vld [tilespmem:s31+$0xFFFFFF70];
	v2 =	vmax.f32 v2, $0.0e+00  }
0x16b: {  	v1 =	vadd.f32 v7, v4;
	v5 =	vmax.f32 v14, $0.0e+00;
	v4 =	vld [tilespmem:s31+$0xFFFFFFF0];
	[tilespmem:s30+$0x60] =	vst v2  }
0x16c: {  	s12 =	simm.s32 $0x4;
	s13 =	simm.s32 $0x8300;
	s20 =	simm.s32 $0x500;
	v2 =	vadd.f32 v6, v3;
	[tilespmem:s30+$0xF0] =	vst v5;
	v3 =	vadd.f32 v63, v15;
	v5 =	vld [tilespmem:s31+$0x70]  }
.LBB2_6:
0x16d: {  	v6 =	vld [tilespmem:s20+$0x80];
	s31 =	sadd.s32 $0x200, s31;
	v1 =	vadd.f32 v12, v1  }
0x16e: {  	s12 =	sadd.s32 $0x4, s12;
	v7 =	vld [tilespmem:s31+$0x80];
	v12 =	vmax.f32 v3, $0.0e+00;
	v2 =	vadd.f32 v13, v2  }
0x16f: {  	s0 =	sadd.s32 $0x200, s0;
	p1 =	slt.u32 s12, $0x3C;
	v13 =	vld [tilespmem:s31+$0xFFFFFF00];
	v3 =	vadd.f32 v8, v11;
	[tilespmem:s29+$0xFFFFFF70] =	vst v12;
	v8 =	vmax.f32 v1, $0.0e+00  }
0x170: {  	v11 =	vld [tilespmem:s0+$0x80];
	v1 =	vadd.f32 v4, v9;
	[tilespmem:s29+$0xFFFFFFF0] =	vst v8;
	v4 =	vmax.f32 v2, $0.0e+00  }
0x171: {  	v8 =	vld [tilespmem:s20+$0xFFFFFF80];
	v2 =	vadd.f32 v5, v10;
	[tilespmem:s29+$0x70] =	vst v4;
	s29 =	smov.u32 s30;
	s30 =	smov.u32 s20  }
0x172: {  	v4 =	vld [tilespmem:s31+$0xFFFFFF80]  }
0x173: {  	v5 =	vld [tilespmem:s20+$0x0];
	v6 =	vadd.f32 v7, v6  }
0x174: {  	v7 =	vld [tilespmem:s31+$0x0]  }
0x175: {  	v9 =	vld [tilespmem:s20+$0xFFFFFF00];
	v6 =	vadd.f32 v11, v6  }
0x176: {  	v10 =	vld [tilespmem:s0+$0xFFFFFF00]  }
0x177: {  	v4 =	vadd.f32 v4, v8;
	v8 =	vld [tilespmem:s0+$0xFFFFFF80];
	v6 =	vmax.f32 v6, $0.0e+00  }
0x178: {  	[tilespmem:s20+$0x80] =	vst v6;
	v6 =	vld [tilespmem:s20+$0x90]  }
0x179: {  	v5 =	vadd.f32 v7, v5;
	v7 =	vld [tilespmem:s31+$0x90]  }
0x17a: {  	v9 =	vadd.f32 v13, v9;
	v11 =	vld [tilespmem:s0+$0x0]  }
0x17b: {  	v12 =	vld [tilespmem:s0+$0x90]  }
0x17c: {  	v9 =	vadd.f32 v10, v9;
	v10 =	vld [tilespmem:s20+$0xFFFFFF10];
	v4 =	vadd.f32 v8, v4  }
0x17d: {  	v8 =	vld [tilespmem:s20+$0xFFFFFF90]  }
0x17e: {  	v9 =	vmax.f32 v9, $0.0e+00;
	v4 =	vmax.f32 v4, $0.0e+00;
	v13 =	vld [tilespmem:s20+$0x10];
	v6 =	vadd.f32 v7, v6  }
0x17f: {  	[tilespmem:s20+$0xFFFFFF00] =	vst v9;
	v7 =	vld [tilespmem:s20+$0xFFFFFF20];
	v5 =	vadd.f32 v11, v5  }
0x180: {  	v9 =	vld [tilespmem:s31+$0xFFFFFF10];
	[tilespmem:s20+$0xFFFFFF80] =	vst v4;
	v4 =	vadd.f32 v12, v6  }
0x181: {  	v6 =	vld [tilespmem:s31+$0xFFFFFF90];
	v5 =	vmax.f32 v5, $0.0e+00  }
0x182: {  	v11 =	vld [tilespmem:s0+$0xFFFFFF10];
	[tilespmem:s20+$0x0] =	vst v5;
	v4 =	vmax.f32 v4, $0.0e+00  }
0x183: {  	[tilespmem:s20+$0x90] =	vst v4;
	v4 =	vld [tilespmem:s20+$0xA0]  }
0x184: {  	v5 =	vld [tilespmem:s31+$0xA0]  }
0x185: {  	v9 =	vadd.f32 v9, v10;
	v10 =	vld [tilespmem:s31+$0x10]  }
0x186: {  	v6 =	vadd.f32 v6, v8;
	v8 =	vld [tilespmem:s0+$0xA0]  }
0x187: {  	v9 =	vadd.f32 v11, v9;
	v11 =	vld [tilespmem:s0+$0xFFFFFF90]  }
0x188: {  	v12 =	vld [tilespmem:s0+$0x10]  }
0x189: {  	v9 =	vmax.f32 v9, $0.0e+00;
	v14 =	vld [tilespmem:s20+$0xFFFFFFA0];
	v4 =	vadd.f32 v5, v4  }
0x18a: {  	[tilespmem:s20+$0xFFFFFF10] =	vst v9;
	v5 =	vadd.f32 v10, v13;
	v9 =	vld [tilespmem:s20+$0x20]  }
0x18b: {  	v10 =	vld [tilespmem:s31+$0xFFFFFF20];
	v4 =	vadd.f32 v8, v4  }
0x18c: {  	v8 =	vld [tilespmem:s0+$0xFFFFFF20];
	v6 =	vadd.f32 v11, v6  }
0x18d: {  	v11 =	vld [tilespmem:s20+$0xFFFFFF30];
	v5 =	vadd.f32 v12, v5;
	v4 =	vmax.f32 v4, $0.0e+00  }
0x18e: {  	v6 =	vmax.f32 v6, $0.0e+00;
	[tilespmem:s20+$0xA0] =	vst v4;
	v4 =	vld [tilespmem:s20+$0xB0]  }
0x18f: {  	[tilespmem:s20+$0xFFFFFF90] =	vst v6;
	v5 =	vmax.f32 v5, $0.0e+00;
	v6 =	vld [tilespmem:s31+$0xB0]  }
0x190: {  	v7 =	vadd.f32 v10, v7;
	v10 =	vld [tilespmem:s31+$0xFFFFFFA0];
	[tilespmem:s20+$0x10] =	vst v5  }
0x191: {  	v5 =	vld [tilespmem:s0+$0xB0]  }
0x192: {  	v7 =	vadd.f32 v8, v7;
	v8 =	vld [tilespmem:s31+$0x20]  }
0x193: {  	v12 =	vld [tilespmem:s0+$0xFFFFFFA0]  }
0x194: {  	v7 =	vmax.f32 v7, $0.0e+00;
	v13 =	vld [tilespmem:s0+$0x20];
	v4 =	vadd.f32 v6, v4  }
0x195: {  	[tilespmem:s20+$0xFFFFFF20] =	vst v7;
	v6 =	vadd.f32 v10, v14;
	v7 =	vld [tilespmem:s20+$0xFFFFFFB0]  }
0x196: {  	v10 =	vld [tilespmem:s31+$0xFFFFFF30];
	v4 =	vadd.f32 v5, v4  }
0x197: {  	v5 =	vadd.f32 v8, v9;
	v8 =	vld [tilespmem:s20+$0x30]  }
0x198: {  	v9 =	vld [tilespmem:s0+$0xFFFFFF30];
	v6 =	vadd.f32 v12, v6;
	v4 =	vmax.f32 v4, $0.0e+00  }
0x199: {  	v5 =	vadd.f32 v13, v5;
	[tilespmem:s20+$0xB0] =	vst v4;
	v4 =	vld [tilespmem:s20+$0xC0]  }
0x19a: {  	v6 =	vmax.f32 v6, $0.0e+00;
	v12 =	vld [tilespmem:s31+$0xC0]  }
0x19b: {  	v10 =	vadd.f32 v10, v11;
	v11 =	vld [tilespmem:s20+$0xFFFFFF40];
	[tilespmem:s20+$0xFFFFFFA0] =	vst v6;
	v5 =	vmax.f32 v5, $0.0e+00  }
0x19c: {  	[tilespmem:s20+$0x20] =	vst v5;
	v5 =	vld [tilespmem:s0+$0xC0]  }
0x19d: {  	v6 =	vadd.f32 v9, v10;
	v9 =	vld [tilespmem:s31+$0xFFFFFFB0]  }
0x19e: {  	v10 =	vld [tilespmem:s31+$0x30]  }
0x19f: {  	v6 =	vmax.f32 v6, $0.0e+00;
	v13 =	vld [tilespmem:s0+$0xFFFFFFB0];
	v4 =	vadd.f32 v12, v4  }
0x1a0: {  	[tilespmem:s20+$0xFFFFFF30] =	vst v6;
	v6 =	vld [tilespmem:s0+$0x30]  }
0x1a1: {  	v12 =	vld [tilespmem:s31+$0xFFFFFF40];
	v4 =	vadd.f32 v5, v4  }
0x1a2: {  	v5 =	vadd.f32 v9, v7;
	v7 =	vld [tilespmem:s20+$0xFFFFFFC0]  }
0x1a3: {  	v8 =	vadd.f32 v10, v8;
	v9 =	vld [tilespmem:s20+$0x40];
	v4 =	vmax.f32 v4, $0.0e+00  }
0x1a4: {  	v5 =	vadd.f32 v13, v5;
	[tilespmem:s20+$0xC0] =	vst v4;
	v4 =	vld [tilespmem:s20+$0xD0]  }
0x1a5: {  	v6 =	vadd.f32 v6, v8;
	v8 =	vld [tilespmem:s31+$0xD0]  }
0x1a6: {  	v10 =	vadd.f32 v12, v11;
	v11 =	vld [tilespmem:s0+$0xFFFFFF40];
	v5 =	vmax.f32 v5, $0.0e+00  }
0x1a7: {  	[tilespmem:s20+$0xFFFFFFB0] =	vst v5;
	v5 =	vmax.f32 v6, $0.0e+00;
	v6 =	vld [tilespmem:s0+$0xD0]  }
0x1a8: {  	v12 =	vld [tilespmem:s31+$0xFFFFFFC0];
	[tilespmem:s20+$0x30] =	vst v5  }
0x1a9: {  	v5 =	vld [tilespmem:s31+$0x40]  }
0x1aa: {  	v13 =	vld [tilespmem:s0+$0xFFFFFFC0];
	v4 =	vadd.f32 v8, v4  }
0x1ab: {  	v8 =	vadd.f32 v11, v10;
	v10 =	vld [tilespmem:s0+$0x40]  }
0x1ac: {  	v11 =	vld [tilespmem:s20+$0xFFFFFF50];
	v4 =	vadd.f32 v6, v4  }
0x1ad: {  	v6 =	vmax.f32 v8, $0.0e+00;
	v7 =	vadd.f32 v12, v7;
	v8 =	vld [tilespmem:s20+$0xFFFFFFD0]  }
0x1ae: {  	[tilespmem:s20+$0xFFFFFF40] =	vst v6;
	v5 =	vadd.f32 v5, v9;
	v6 =	vld [tilespmem:s20+$0x50];
	v4 =	vmax.f32 v4, $0.0e+00  }
0x1af: {  	v7 =	vadd.f32 v13, v7;
	[tilespmem:s20+$0xD0] =	vst v4;
	v4 =	vld [tilespmem:s20+$0xE0]  }
0x1b0: {  	v5 =	vadd.f32 v10, v5;
	v9 =	vld [tilespmem:s31+$0xE0]  }
0x1b1: {  	v10 =	vld [tilespmem:s31+$0xFFFFFF50];
	v7 =	vmax.f32 v7, $0.0e+00  }
0x1b2: {  	[tilespmem:s20+$0xFFFFFFC0] =	vst v7;
	v5 =	vmax.f32 v5, $0.0e+00;
	v7 =	vld [tilespmem:s0+$0xE0]  }
0x1b3: {  	v12 =	vld [tilespmem:s31+$0xFFFFFFD0];
	[tilespmem:s20+$0x40] =	vst v5  }
0x1b4: {  	v5 =	vld [tilespmem:s31+$0x50]  }
0x1b5: {  	v13 =	vld [tilespmem:s0+$0xFFFFFF50];
	v4 =	vadd.f32 v9, v4  }
0x1b6: {  	v9 =	vadd.f32 v10, v11;
	v10 =	vld [tilespmem:s0+$0xFFFFFFD0]  }
0x1b7: {  	v11 =	vld [tilespmem:s0+$0x50];
	v4 =	vadd.f32 v7, v4  }
0x1b8: {  	v7 =	vld [tilespmem:s20+$0xFFFFFF60];
	v8 =	vadd.f32 v12, v8  }
0x1b9: {  	v12 =	vld [tilespmem:s20+$0xFFFFFFE0];
	v5 =	vadd.f32 v5, v6;
	v4 =	vmax.f32 v4, $0.0e+00  }
0x1ba: {  	v6 =	vadd.f32 v13, v9;
	[tilespmem:s20+$0xE0] =	vst v4;
	v4 =	vld [tilespmem:s20+$0xF0]  }
0x1bb: {  	v8 =	vadd.f32 v10, v8;
	v9 =	vld [tilespmem:s31+$0xF0]  }
0x1bc: {  	v6 =	vmax.f32 v6, $0.0e+00;
	v5 =	vadd.f32 v11, v5;
	v10 =	vld [tilespmem:s20+$0x60]  }
0x1bd: {  	[tilespmem:s20+$0xFFFFFF50] =	vst v6;
	v6 =	vmax.f32 v8, $0.0e+00;
	v8 =	vld [tilespmem:s0+$0xF0]  }
0x1be: {  	v11 =	vld [tilespmem:s31+$0xFFFFFF60];
	[tilespmem:s20+$0xFFFFFFD0] =	vst v6;
	v5 =	vmax.f32 v5, $0.0e+00  }
0x1bf: {  	v6 =	vld [tilespmem:s31+$0xFFFFFFE0];
	[tilespmem:s20+$0x50] =	vst v5  }
0x1c0: {  	v5 =	vld [tilespmem:s31+$0x60];
	v4 =	vadd.f32 v9, v4  }
0x1c1: {  	v13 =	vld [tilespmem:s0+$0xFFFFFF60]  }
0x1c2: {  	v14 =	vld [tilespmem:s0+$0xFFFFFFE0];
	v4 =	vadd.f32 v8, v4  }
0x1c3: {  	v7 =	vadd.f32 v11, v7;
	v8 =	vld [tilespmem:s0+$0x60]  }
0x1c4: {  	v11 =	vld [tilespmem:s20+$0xFFFFFF70];
	v6 =	vadd.f32 v6, v12;
	v4 =	vmax.f32 v4, $0.0e+00  }
0x1c5: {  	v9 =	vld [tilespmem:s20+$0xFFFFFFF0];
	v5 =	vadd.f32 v5, v10;
	[tilespmem:s20+$0xF0] =	vst v4  }
0x1c6: {  	v4 =	vadd.f32 v13, v7;
	v10 =	vld [tilespmem:s20+$0x70]  }
0x1c7: {  	v6 =	vadd.f32 v14, v6;
	v7 =	vld [tilespmem:s13+$0xFFFFFF70]  }
.Ltmp6:
0x1c8: {  	v4 =	vmax.f32 v4, $0.0e+00;
	v5 =	vadd.f32 v8, v5;
	v12 =	vld [tilespmem:s13+$0xFFFFFFF0];
	(pc) =	sbr.rel @p1 .LBB2_6-.Ltmp6, $4  }
0x1c9: {  	[tilespmem:s20+$0xFFFFFF60] =	vst v4;
	v4 =	vmax.f32 v6, $0.0e+00;
	v13 =	vld [tilespmem:s13+$0x70];
	s13 =	smov.u32 s0  }
0x1ca: {  	v8 =	vld [tilespmem:s31+$0xFFFFFF70];
	[tilespmem:s20+$0xFFFFFFE0] =	vst v4;
	v5 =	vmax.f32 v5, $0.0e+00  }
0x1cb: {  	v4 =	vld [tilespmem:s31+$0xFFFFFFF0];
	[tilespmem:s20+$0x60] =	vst v5  }
0x1cc: {  	s20 =	sadd.s32 $0x200, s20;
	v5 =	vld [tilespmem:s31+$0x70];
	v3 =	vadd.f32 v7, v3  }
0x1cd: {  	v6 =	vld [tilespmem:s13+$0xFFFFFF70]  }
0x1ce: {  	v7 =	vld [tilespmem:s13+$0xFFFFFFF0]  }
0x1cf: {  	v14 =	vld [tilespmem:s13+$0x70]  }
0x1d0: {  	v1 =	vadd.f32 v12, v1;
	v8 =	vadd.f32 v8, v11  }
0x1d1: {  	v3 =	vmax.f32 v3, $0.0e+00;
	v2 =	vadd.f32 v13, v2;
	v4 =	vadd.f32 v4, v9  }
0x1d2: {  	[tilespmem:s29+$0xFFFFFF70] =	vst v3;
	v1 =	vmax.f32 v1, $0.0e+00;
	v3 =	vadd.f32 v5, v10;
	v5 =	vadd.f32 v6, v8  }
0x1d3: {  	[tilespmem:s29+$0xFFFFFFF0] =	vst v1;
	v1 =	vmax.f32 v2, $0.0e+00;
	v2 =	vadd.f32 v7, v4  }
0x1d4: {  	[tilespmem:s29+$0x70] =	vst v1;
	v3 =	vadd.f32 v14, v3;
	v1 =	vmax.f32 v5, $0.0e+00  }
0x1d5: {  	[tilespmem:s30+$0xFFFFFF70] =	vst v1;
	v1 =	vmax.f32 v2, $0.0e+00  }
0x1d6: {  	s0 =	rddreg [dreg:$0x2];
	[tilespmem:s30+$0xFFFFFFF0] =	vst v1;
	v1 =	vmax.f32 v3, $0.0e+00  }
0x1d7: {  	s0 =	sadd.s32 s0, s3;
	[tilespmem:s30+$0x70] =	vst v1  }
0x1d8: {  	[hbm4b:s0+s4] =	stream.linear.scatter [tilespmem:s4], [sflag:$0x6], $0x2000, $0x38;
	[tilespmem:$0x1FA00] =	vst v63  }
0x1d9: {  	_ =	swait.ge [sflag:s19], $0x2000  }
0x1da: {  	[sflag:s19] =	ssyncset.done $0x0  }
0x1db: {  	[sflag:s19] =	ssyncadd.s32 $0xFFFFE000  }
0x1dc: {  	_ =	swait.ge [sflag:s19], $0x2000  }
0x1dd: {  	[sflag:s19] =	ssyncset.done $0x0  }
0x1de: {  	s29 =	simm.s32 $0x21F0;
	[sflag:s19] =	ssyncadd.s32 $0xFFFFE000  }
0x1df: {  	s20 =	simm.s32 $0x61F0;
	v1 =	vld [tilespmem:s29+$0xFFFFFF90]  }
0x1e0: {  	s12 =	simm.s32 $0xA1F0;
	v2 =	vld [tilespmem:s20+$0xFFFFFF90]  }
0x1e1: {  	v3 =	vld [tilespmem:s12+$0xFFFFFF90]  }
0x1e2: {  	v4 =	vld [tilespmem:s12+$0xFFFFFE10]  }
0x1e3: {  	v6 =	vld [tilespmem:s29+$0xFFFFFE90]  }
0x1e4: {  	v8 =	vld [tilespmem:s20+$0xFFFFFE90]  }
0x1e5: {  	s30 =	simm.s32 $0x23F0;
	v9 =	vld [tilespmem:s20+$0xFFFFFF10]  }
0x1e6: {  	s31 =	simm.s32 $0x63F0;
	v13 =	vld [tilespmem:s30+$0xFFFFFF90]  }
0x1e7: {  	v14 =	vld [tilespmem:s31+$0xFFFFFF90]  }
0x1e8: {  	v16 =	vld [tilespmem:s30+$0xFFFFFE90];
	v1 =	vadd.f32 v2, v1  }
0x1e9: {  	v17 =	vld [tilespmem:s31+$0xFFFFFE90]  }
0x1ea: {  	v2 =	vld [tilespmem:s20+$0xFFFFFE10];
	v1 =	vadd.f32 v3, v1  }
0x1eb: {  	s0 =	simm.s32 $0xA3F0;
	v3 =	vld [tilespmem:s29+$0xFFFFFE10]  }
0x1ec: {  	v18 =	vld [tilespmem:s0+$0xFFFFFF10];
	v1 =	vmax.f32 v1, $0.0e+00  }
0x1ed: {  	[tilespmem:s29+$0xFFFFFF90] =	vst v1;
	v1 =	vld [tilespmem:s29+$0xFFFFFFA0]  }
0x1ee: {  	v5 =	vld [tilespmem:s20+$0xFFFFFFA0]  }
0x1ef: {  	v7 =	vld [tilespmem:s12+$0xFFFFFFA0]  }
0x1f0: {  	v2 =	vadd.f32 v2, v3;
	v3 =	vld [tilespmem:s29+$0xFFFFFF10]  }
0x1f1: {  	v19 =	vld [tilespmem:s30+$0xFFFFFEA0]  }
0x1f2: {  	v38 =	vld [tilespmem:s30+$0xFFFFFF20]  }
0x1f3: {  	v2 =	vadd.f32 v4, v2;
	v4 =	vld [tilespmem:s12+$0xFFFFFE90];
	v1 =	vadd.f32 v5, v1  }
0x1f4: {  	v5 =	vld [tilespmem:s29+$0xFFFFFE20]  }
0x1f5: {  	v2 =	vmax.f32 v2, $0.0e+00;
	v3 =	vadd.f32 v9, v3;
	v9 =	vld [tilespmem:s29+$0xFFFFFF20];
	v1 =	vadd.f32 v7, v1  }
0x1f6: {  	[tilespmem:s29+$0xFFFFFE10] =	vst v2;
	v7 =	vld [tilespmem:s12+$0xFFFFFF10]  }
0x1f7: {  	v2 =	vld [tilespmem:s20+$0xFFFFFE20];
	v1 =	vmax.f32 v1, $0.0e+00  }
0x1f8: {  	v10 =	vld [tilespmem:s12+$0xFFFFFE20];
	[tilespmem:s29+$0xFFFFFFA0] =	vst v1;
	v1 =	vadd.f32 v8, v6  }
0x1f9: {  	v6 =	vld [tilespmem:s29+$0xFFFFFFB0]  }
0x1fa: {  	v8 =	vld [tilespmem:s20+$0xFFFFFFB0];
	v1 =	vadd.f32 v4, v1  }
0x1fb: {  	v4 =	vld [tilespmem:s29+$0xFFFFFEA0];
	v3 =	vadd.f32 v7, v3  }
0x1fc: {  	v7 =	vld [tilespmem:s12+$0xFFFFFFB0];
	v2 =	vadd.f32 v2, v5;
	v1 =	vmax.f32 v1, $0.0e+00  }
0x1fd: {  	v5 =	vld [tilespmem:s29+$0xFFFFFE30];
	[tilespmem:s29+$0xFFFFFE90] =	vst v1;
	v1 =	vmax.f32 v3, $0.0e+00  }
0x1fe: {  	v3 =	vld [tilespmem:s20+$0xFFFFFEA0];
	[tilespmem:s29+$0xFFFFFF10] =	vst v1;
	v1 =	vadd.f32 v10, v2  }
0x1ff: {  	v2 =	vadd.f32 v8, v6;
	v8 =	vld [tilespmem:s12+$0xFFFFFEA0]  }
0x200: {  	v6 =	vld [tilespmem:s20+$0xFFFFFF20];
	v1 =	vmax.f32 v1, $0.0e+00  }
0x201: {  	v2 =	vadd.f32 v7, v2;
	v7 =	vld [tilespmem:s12+$0xFFFFFF20];
	[tilespmem:s29+$0xFFFFFE20] =	vst v1  }
0x202: {  	v1 =	vld [tilespmem:s20+$0xFFFFFE30]  }
0x203: {  	v2 =	vmax.f32 v2, $0.0e+00;
	v10 =	vld [tilespmem:s12+$0xFFFFFE30]  }
0x204: {  	[tilespmem:s29+$0xFFFFFFB0] =	vst v2;
	v2 =	vadd.f32 v3, v4;
	v3 =	vld [tilespmem:s29+$0xFFFFFFC0]  }
0x205: {  	v4 =	vadd.f32 v6, v9;
	v6 =	vld [tilespmem:s20+$0xFFFFFFC0]  }
0x206: {  	v9 =	vld [tilespmem:s29+$0xFFFFFEB0];
	v2 =	vadd.f32 v8, v2  }
0x207: {  	v8 =	vld [tilespmem:s29+$0xFFFFFF30]  }
0x208: {  	v4 =	vadd.f32 v7, v4;
	v7 =	vld [tilespmem:s12+$0xFFFFFFC0];
	v2 =	vmax.f32 v2, $0.0e+00;
	v1 =	vadd.f32 v1, v5  }
0x209: {  	v5 =	vld [tilespmem:s29+$0xFFFFFE40];
	[tilespmem:s29+$0xFFFFFEA0] =	vst v2  }
0x20a: {  	v2 =	vmax.f32 v4, $0.0e+00;
	v4 =	vld [tilespmem:s20+$0xFFFFFEB0];
	v1 =	vadd.f32 v10, v1  }
0x20b: {  	[tilespmem:s29+$0xFFFFFF20] =	vst v2;
	v2 =	vadd.f32 v6, v3;
	v6 =	vld [tilespmem:s12+$0xFFFFFEB0]  }
0x20c: {  	v3 =	vld [tilespmem:s20+$0xFFFFFF30];
	v1 =	vmax.f32 v1, $0.0e+00  }
0x20d: {  	v2 =	vadd.f32 v7, v2;
	v7 =	vld [tilespmem:s12+$0xFFFFFF30];
	[tilespmem:s29+$0xFFFFFE30] =	vst v1  }
0x20e: {  	v1 =	vld [tilespmem:s20+$0xFFFFFE40]  }
0x20f: {  	v2 =	vmax.f32 v2, $0.0e+00;
	v10 =	vld [tilespmem:s12+$0xFFFFFE40]  }
0x210: {  	[tilespmem:s29+$0xFFFFFFC0] =	vst v2;
	v2 =	vadd.f32 v4, v9;
	v4 =	vld [tilespmem:s29+$0xFFFFFFD0]  }
0x211: {  	v9 =	vld [tilespmem:s29+$0xFFFFFEC0];
	v3 =	vadd.f32 v3, v8  }
0x212: {  	v8 =	vld [tilespmem:s20+$0xFFFFFFD0];
	v2 =	vadd.f32 v6, v2  }
0x213: {  	v6 =	vld [tilespmem:s12+$0xFFFFFFD0];
	v3 =	vadd.f32 v7, v3  }
0x214: {  	v7 =	vld [tilespmem:s29+$0xFFFFFF40];
	v2 =	vmax.f32 v2, $0.0e+00;
	v1 =	vadd.f32 v1, v5  }
0x215: {  	v5 =	vld [tilespmem:s29+$0xFFFFFE50];
	[tilespmem:s29+$0xFFFFFEB0] =	vst v2;
	v2 =	vmax.f32 v3, $0.0e+00  }
0x216: {  	[tilespmem:s29+$0xFFFFFF30] =	vst v2;
	v1 =	vadd.f32 v10, v1;
	v2 =	vld [tilespmem:s20+$0xFFFFFEC0]  }
0x217: {  	v3 =	vadd.f32 v8, v4;
	v4 =	vld [tilespmem:s20+$0xFFFFFF40]  }
0x218: {  	v8 =	vld [tilespmem:s12+$0xFFFFFEC0];
	v1 =	vmax.f32 v1, $0.0e+00  }
0x219: {  	v3 =	vadd.f32 v6, v3;
	[tilespmem:s29+$0xFFFFFE40] =	vst v1;
	v1 =	vld [tilespmem:s12+$0xFFFFFF40]  }
0x21a: {  	v6 =	vld [tilespmem:s20+$0xFFFFFE50]  }
0x21b: {  	v3 =	vmax.f32 v3, $0.0e+00;
	v10 =	vld [tilespmem:s12+$0xFFFFFE50];
	v2 =	vadd.f32 v2, v9  }
0x21c: {  	[tilespmem:s29+$0xFFFFFFD0] =	vst v3;
	v3 =	vadd.f32 v4, v7;
	v4 =	vld [tilespmem:s29+$0xFFFFFFE0]  }
0x21d: {  	v7 =	vld [tilespmem:s20+$0xFFFFFFE0];
	v2 =	vadd.f32 v8, v2  }
0x21e: {  	v9 =	vld [tilespmem:s29+$0xFFFFFED0]  }
0x21f: {  	v1 =	vadd.f32 v1, v3;
	v3 =	vld [tilespmem:s12+$0xFFFFFFE0];
	v2 =	vmax.f32 v2, $0.0e+00  }
0x220: {  	v8 =	vld [tilespmem:s29+$0xFFFFFF50];
	[tilespmem:s29+$0xFFFFFEC0] =	vst v2  }
0x221: {  	v1 =	vmax.f32 v1, $0.0e+00;
	v2 =	vld [tilespmem:s20+$0xFFFFFED0]  }
0x222: {  	[tilespmem:s29+$0xFFFFFF40] =	vst v1;
	v4 =	vadd.f32 v7, v4;
	v7 =	vld [tilespmem:s12+$0xFFFFFED0]  }
0x223: {  	v5 =	vadd.f32 v6, v5;
	v1 =	vld [tilespmem:s20+$0xFFFFFF50]  }
0x224: {  	v6 =	vld [tilespmem:s12+$0xFFFFFF50];
	v3 =	vadd.f32 v3, v4  }
0x225: {  	v5 =	vadd.f32 v10, v5;
	v4 =	vld [tilespmem:s29+$0xFFFFFE60]  }
0x226: {  	v3 =	vmax.f32 v3, $0.0e+00;
	v2 =	vadd.f32 v2, v9;
	v9 =	vld [tilespmem:s29+$0xFFFFFEE0]  }
0x227: {  	[tilespmem:s29+$0xFFFFFFE0] =	vst v3;
	v3 =	vmax.f32 v5, $0.0e+00;
	v5 =	vld [tilespmem:s29+$0xFFFFFFF0]  }
0x228: {  	v1 =	vadd.f32 v1, v8;
	v8 =	vld [tilespmem:s29+$0xFFFFFF60];
	v2 =	vadd.f32 v7, v2  }
0x229: {  	[tilespmem:s29+$0xFFFFFE50] =	vst v3;
	v3 =	vld [tilespmem:s20+$0xFFFFFFF0]  }
0x22a: {  	v1 =	vadd.f32 v6, v1;
	v6 =	vld [tilespmem:s20+$0xFFFFFE60];
	v2 =	vmax.f32 v2, $0.0e+00  }
0x22b: {  	[tilespmem:s29+$0xFFFFFED0] =	vst v2;
	v2 =	vld [tilespmem:s12+$0xFFFFFFF0]  }
0x22c: {  	v10 =	vld [tilespmem:s12+$0xFFFFFE60];
	v1 =	vmax.f32 v1, $0.0e+00  }
0x22d: {  	v7 =	vld [tilespmem:s20+$0xFFFFFEE0];
	[tilespmem:s29+$0xFFFFFF50] =	vst v1  }
0x22e: {  	v3 =	vadd.f32 v3, v5;
	v1 =	vld [tilespmem:s20+$0xFFFFFF60]  }
0x22f: {  	v5 =	vld [tilespmem:s12+$0xFFFFFEE0]  }
0x230: {  	v11 =	vld [tilespmem:s12+$0xFFFFFF60];
	v2 =	vadd.f32 v2, v3;
	v3 =	vadd.f32 v6, v4  }
0x231: {  	v42 =	vld [tilespmem:s30+$0xFFFFFEB0]  }
0x232: {  	v43 =	vld [tilespmem:s30+$0xFFFFFF30];
	v6 =	vadd.f32 v7, v9;
	v3 =	vadd.f32 v10, v3  }
0x233: {  	v4 =	vld [tilespmem:s29+$0xFFFFFE70];
	v8 =	vadd.f32 v1, v8  }
0x234: {  	v7 =	vld [tilespmem:s29+$0xFFFFFEF0];
	v5 =	vadd.f32 v5, v6;
	v3 =	vmax.f32 v3, $0.0e+00  }
0x235: {  	v6 =	vadd.f32 v11, v8;
	v8 =	vld [tilespmem:s29+$0xFFFFFF70];
	[tilespmem:s29+$0xFFFFFE60] =	vst v3  }
0x236: {  	v3 =	vmax.f32 v5, $0.0e+00;
	v5 =	vld [tilespmem:s20+$0xFFFFFE70]  }
0x237: {  	[tilespmem:s29+$0xFFFFFEE0] =	vst v3;
	v3 =	vmax.f32 v6, $0.0e+00;
	v10 =	vld [tilespmem:s12+$0xFFFFFE70]  }
0x238: {  	v6 =	vld [tilespmem:s20+$0xFFFFFEF0];
	[tilespmem:s29+$0xFFFFFF60] =	vst v3  }
0x239: {  	v3 =	vld [tilespmem:s20+$0xFFFFFF70]  }
0x23a: {  	v11 =	vld [tilespmem:s12+$0xFFFFFEF0]  }
0x23b: {  	v12 =	vld [tilespmem:s12+$0xFFFFFF70];
	v4 =	vadd.f32 v5, v4  }
0x23c: {  	v47 =	vld [tilespmem:s30+$0xFFFFFEC0]  }
0x23d: {  	v6 =	vadd.f32 v6, v7;
	v7 =	vadd.f32 v10, v4;
	v10 =	vld [tilespmem:s0+$0xFFFFFF90]  }
0x23e: {  	v48 =	vld [tilespmem:s30+$0xFFFFFF40];
	v3 =	vadd.f32 v3, v8  }
0x23f: {  	v51 =	vld [tilespmem:s30+$0xFFFFFED0];
	v6 =	vadd.f32 v11, v6  }
0x240: {  	v54 =	vld [tilespmem:s30+$0xFFFFFE60];
	v11 =	vadd.f32 v12, v3;
	v12 =	vadd.f32 v14, v13  }
0x241: {  	v55 =	vld [tilespmem:s30+$0xFFFFFEE0]  }
0x242: {  	v14 =	vld [tilespmem:s0+$0xFFFFFE10];
	v6 =	vmax.f32 v6, $0.0e+00;
	v10 =	vadd.f32 v10, v12  }
0x243: {  	[tilespmem:s29+$0xFFFFFEF0] =	vst v6;
	v6 =	vmax.f32 v11, $0.0e+00;
	v11 =	vld [tilespmem:s31+$0xFFFFFE10]  }
0x244: {  	v12 =	vld [tilespmem:s30+$0xFFFFFE10];
	v10 =	vmax.f32 v10, $0.0e+00  }
0x245: {  	[tilespmem:s30+$0xFFFFFF90] =	vst v10;
	v10 =	vld [tilespmem:s30+$0xFFFFFFA0]  }
0x246: {  	v13 =	vld [tilespmem:s31+$0xFFFFFFA0]  }
0x247: {  	v56 =	vld [tilespmem:s30+$0xFFFFFF60]  }
0x248: {  	v15 =	vld [tilespmem:s0+$0xFFFFFFA0]  }
0x249: {  	v58 =	vld [tilespmem:s30+$0xFFFFFE70];
	v11 =	vadd.f32 v11, v12  }
0x24a: {  	v1 =	vld [tilespmem:s29+$0x0]  }
0x24b: {  	v12 =	vld [tilespmem:s30+$0xFFFFFF10];
	v11 =	vadd.f32 v14, v11;
	v10 =	vadd.f32 v13, v10  }
0x24c: {  	v13 =	vld [tilespmem:s31+$0xFFFFFF10]  }
0x24d: {  	v14 =	vld [tilespmem:s0+$0xFFFFFE90];
	v11 =	vmax.f32 v11, $0.0e+00;
	v10 =	vadd.f32 v15, v10  }
0x24e: {  	[tilespmem:s30+$0xFFFFFE10] =	vst v11;
	v15 =	vld [tilespmem:s30+$0xFFFFFE20]  }
0x24f: {  	v11 =	vld [tilespmem:s31+$0xFFFFFE20];
	v10 =	vmax.f32 v10, $0.0e+00  }
0x250: {  	v16 =	vadd.f32 v17, v16;
	[tilespmem:s30+$0xFFFFFFA0] =	vst v10;
	v10 =	vld [tilespmem:s30+$0xFFFFFFB0]  }
0x251: {  	v2 =	vmax.f32 v2, $0.0e+00;
	v12 =	vadd.f32 v13, v12;
	v13 =	vld [tilespmem:s0+$0xFFFFFE20]  }
0x252: {  	[tilespmem:s29+$0xFFFFFFF0] =	vst v2;
	v14 =	vadd.f32 v14, v16;
	v36 =	vld [tilespmem:s31+$0xFFFFFFB0]  }
0x253: {  	v2 =	vld [tilespmem:s20+$0x0];
	v12 =	vadd.f32 v18, v12  }
0x254: {  	v14 =	vmax.f32 v14, $0.0e+00;
	v37 =	vld [tilespmem:s0+$0xFFFFFFB0];
	v11 =	vadd.f32 v11, v15  }
0x255: {  	[tilespmem:s30+$0xFFFFFE90] =	vst v14;
	v15 =	vld [tilespmem:s30+$0xFFFFFE30];
	v12 =	vmax.f32 v12, $0.0e+00  }
0x256: {  	v14 =	vld [tilespmem:s31+$0xFFFFFEA0];
	[tilespmem:s30+$0xFFFFFF10] =	vst v12;
	v11 =	vadd.f32 v13, v11  }
0x257: {  	v10 =	vadd.f32 v36, v10;
	v12 =	vld [tilespmem:s31+$0xFFFFFF20]  }
0x258: {  	v13 =	vld [tilespmem:s0+$0xFFFFFEA0];
	v11 =	vmax.f32 v11, $0.0e+00  }
0x259: {  	v39 =	vld [tilespmem:s0+$0xFFFFFF20];
	v10 =	vadd.f32 v37, v10;
	[tilespmem:s30+$0xFFFFFE20] =	vst v11  }
0x25a: {  	v11 =	vld [tilespmem:s31+$0xFFFFFE30]  }
0x25b: {  	v14 =	vadd.f32 v14, v19;
	v41 =	vld [tilespmem:s0+$0xFFFFFE30];
	v10 =	vmax.f32 v10, $0.0e+00  }
0x25c: {  	[tilespmem:s30+$0xFFFFFFB0] =	vst v10;
	v10 =	vld [tilespmem:s30+$0xFFFFFFC0];
	v12 =	vadd.f32 v12, v38  }
0x25d: {  	v13 =	vadd.f32 v13, v14;
	v40 =	vld [tilespmem:s31+$0xFFFFFFC0]  }
0x25e: {  	v9 =	vld [tilespmem:s12+$0x0];
	v12 =	vadd.f32 v39, v12  }
0x25f: {  	v14 =	vld [tilespmem:s0+$0xFFFFFFC0];
	v13 =	vmax.f32 v13, $0.0e+00;
	v11 =	vadd.f32 v11, v15  }
0x260: {  	[tilespmem:s30+$0xFFFFFEA0] =	vst v13;
	v15 =	vld [tilespmem:s30+$0xFFFFFE40];
	v12 =	vmax.f32 v12, $0.0e+00  }
0x261: {  	v13 =	vld [tilespmem:s31+$0xFFFFFEB0];
	[tilespmem:s30+$0xFFFFFF20] =	vst v12;
	v11 =	vadd.f32 v41, v11  }
0x262: {  	v10 =	vadd.f32 v40, v10;
	v12 =	vld [tilespmem:s31+$0xFFFFFF30]  }
0x263: {  	v44 =	vld [tilespmem:s0+$0xFFFFFF30];
	v11 =	vmax.f32 v11, $0.0e+00  }
0x264: {  	v10 =	vadd.f32 v14, v10;
	v14 =	vld [tilespmem:s0+$0xFFFFFEB0];
	[tilespmem:s30+$0xFFFFFE30] =	vst v11  }
0x265: {  	v11 =	vld [tilespmem:s31+$0xFFFFFE40]  }
0x266: {  	v46 =	vld [tilespmem:s0+$0xFFFFFE40];
	v10 =	vmax.f32 v10, $0.0e+00  }
0x267: {  	v13 =	vadd.f32 v13, v42;
	[tilespmem:s30+$0xFFFFFFC0] =	vst v10;
	v10 =	vld [tilespmem:s30+$0xFFFFFFD0]  }
0x268: {  	v12 =	vadd.f32 v12, v43;
	v45 =	vld [tilespmem:s31+$0xFFFFFFD0]  }
0x269: {  	v59 =	vld [tilespmem:s30+$0xFFFFFEF0];
	v13 =	vadd.f32 v14, v13  }
0x26a: {  	v1 =	vadd.f32 v2, v1;
	v14 =	vld [tilespmem:s0+$0xFFFFFFD0];
	v12 =	vadd.f32 v44, v12  }
0x26b: {  	v5 =	vld [tilespmem:s29+$0xFFFFFE80];
	v11 =	vadd.f32 v11, v15;
	v13 =	vmax.f32 v13, $0.0e+00  }
0x26c: {  	v1 =	vadd.f32 v9, v1;
	v9 =	vld [tilespmem:s30+$0xFFFFFF00];
	v12 =	vmax.f32 v12, $0.0e+00;
	[tilespmem:s30+$0xFFFFFEB0] =	vst v13  }
0x26d: {  	[tilespmem:s30+$0xFFFFFF30] =	vst v12;
	v11 =	vadd.f32 v46, v11;
	v10 =	vadd.f32 v45, v10;
	v12 =	vld [tilespmem:s31+$0xFFFFFEC0]  }
0x26e: {  	v13 =	vld [tilespmem:s31+$0xFFFFFF40]  }
0x26f: {  	v11 =	vmax.f32 v11, $0.0e+00;
	v10 =	vadd.f32 v14, v10;
	v14 =	vld [tilespmem:s0+$0xFFFFFEC0]  }
0x270: {  	[tilespmem:s30+$0xFFFFFE40] =	vst v11;
	v11 =	vld [tilespmem:s0+$0xFFFFFF40]  }
0x271: {  	v15 =	vld [tilespmem:s30+$0xFFFFFE50];
	v10 =	vmax.f32 v10, $0.0e+00  }
0x272: {  	v49 =	vld [tilespmem:s31+$0xFFFFFE50];
	[tilespmem:s30+$0xFFFFFFD0] =	vst v10;
	v10 =	vadd.f32 v12, v47  }
0x273: {  	v12 =	vld [tilespmem:s30+$0xFFFFFFE0];
	v13 =	vadd.f32 v13, v48  }
0x274: {  	v50 =	vld [tilespmem:s31+$0xFFFFFFE0];
	v10 =	vadd.f32 v14, v10  }
0x275: {  	v52 =	vld [tilespmem:s0+$0xFFFFFE50];
	v11 =	vadd.f32 v11, v13  }
0x276: {  	v13 =	vld [tilespmem:s0+$0xFFFFFFE0];
	v10 =	vmax.f32 v10, $0.0e+00  }
0x277: {  	v14 =	vld [tilespmem:s30+$0xFFFFFF50];
	[tilespmem:s30+$0xFFFFFEC0] =	vst v10;
	v10 =	vmax.f32 v11, $0.0e+00  }
0x278: {  	v11 =	vld [tilespmem:s31+$0xFFFFFED0];
	[tilespmem:s30+$0xFFFFFF40] =	vst v10  }
0x279: {  	v10 =	vadd.f32 v50, v12;
	v12 =	vld [tilespmem:s31+$0xFFFFFF50]  }
0x27a: {  	v53 =	vld [tilespmem:s0+$0xFFFFFED0]  }
0x27b: {  	v4 =	vld [tilespmem:s29+$0xFFFFFF00];
	v10 =	vadd.f32 v13, v10  }
0x27c: {  	v15 =	vadd.f32 v49, v15;
	v13 =	vld [tilespmem:s0+$0xFFFFFF50]  }
0x27d: {  	v3 =	vld [tilespmem:s29+$0xFFFFFF80];
	v10 =	vmax.f32 v10, $0.0e+00;
	v11 =	vadd.f32 v11, v51  }
0x27e: {  	v7 =	vmax.f32 v7, $0.0e+00;
	[tilespmem:s30+$0xFFFFFFE0] =	vst v10;
	v10 =	vadd.f32 v52, v15;
	v12 =	vadd.f32 v12, v14;
	v14 =	vld [tilespmem:s30+$0xFFFFFFF0]  }
0x27f: {  	[tilespmem:s29+$0xFFFFFE70] =	vst v7;
	v15 =	vld [tilespmem:s31+$0xFFFFFFF0];
	v11 =	vadd.f32 v53, v11  }
0x280: {  	v8 =	vld [tilespmem:s20+$0xFFFFFE80];
	v10 =	vmax.f32 v10, $0.0e+00  }
0x281: {  	v12 =	vadd.f32 v13, v12;
	[tilespmem:s30+$0xFFFFFE50] =	vst v10;
	v10 =	vmax.f32 v11, $0.0e+00;
	v11 =	vld [tilespmem:s0+$0xFFFFFFF0]  }
0x282: {  	v13 =	vld [tilespmem:s31+$0xFFFFFE60];
	[tilespmem:s30+$0xFFFFFED0] =	vst v10  }
0x283: {  	v10 =	vmax.f32 v12, $0.0e+00;
	v12 =	vld [tilespmem:s31+$0xFFFFFEE0]  }
0x284: {  	[tilespmem:s30+$0xFFFFFF50] =	vst v10;
	v14 =	vadd.f32 v15, v14;
	v15 =	vld [tilespmem:s0+$0xFFFFFE60]  }
0x285: {  	v10 =	vld [tilespmem:s31+$0xFFFFFF60]  }
0x286: {  	v57 =	vld [tilespmem:s0+$0xFFFFFEE0];
	v11 =	vadd.f32 v11, v14  }
0x287: {  	v14 =	vld [tilespmem:s0+$0xFFFFFF60];
	v13 =	vadd.f32 v13, v54  }
0x288: {  	v63 =	vld [tilespmem:s12+$0xFFFFFE80];
	v11 =	vmax.f32 v11, $0.0e+00  }
0x289: {  	v7 =	vld [tilespmem:s20+$0xFFFFFF00];
	v12 =	vadd.f32 v12, v55;
	[tilespmem:s30+$0xFFFFFFF0] =	vst v11;
	v11 =	vadd.f32 v15, v13  }
0x28a: {  	v10 =	vadd.f32 v10, v56;
	v13 =	vld [tilespmem:s30+$0x0]  }
0x28b: {  	v12 =	vadd.f32 v57, v12;
	v15 =	vld [tilespmem:s31+$0x0];
	v11 =	vmax.f32 v11, $0.0e+00  }
0x28c: {  	v10 =	vadd.f32 v14, v10;
	v14 =	vld [tilespmem:s30+$0xFFFFFF70];
	[tilespmem:s30+$0xFFFFFE60] =	vst v11  }
0x28d: {  	v11 =	vmax.f32 v12, $0.0e+00;
	v12 =	vld [tilespmem:s31+$0xFFFFFE70]  }
0x28e: {  	[tilespmem:s30+$0xFFFFFEE0] =	vst v11;
	v10 =	vmax.f32 v10, $0.0e+00;
	v20 =	vld [tilespmem:s0+$0xFFFFFE70]  }
0x28f: {  	v61 =	vld [tilespmem:s31+$0xFFFFFEF0];
	[tilespmem:s30+$0xFFFFFF60] =	vst v10  }
0x290: {  	v10 =	vld [tilespmem:s31+$0xFFFFFF70]  }
0x291: {  	v21 =	vld [tilespmem:s0+$0xFFFFFEF0]  }
0x292: {  	v2 =	vld [tilespmem:s0+$0xFFFFFF70]  }
0x293: {  	[tilespmem:s29+$0xFFFFFF70] =	vst v6;
	v60 =	vld [tilespmem:s0+$0x0];
	v12 =	vadd.f32 v12, v58  }
0x294: {  	v6 =	vld [tilespmem:s20+$0xFFFFFF80];
	v62 =	vadd.f32 v61, v59  }
0x295: {  	v11 =	vld [tilespmem:s30+$0xFFFFFE80];
	v14 =	vadd.f32 v10, v14;
	v12 =	vadd.f32 v20, v12  }
0x296: {  	v1 =	vmax.f32 v1, $0.0e+00;
	v13 =	vadd.f32 v15, v13;
	v10 =	vld [tilespmem:s30+$0xFFFFFF80];
	v15 =	vadd.f32 v21, v62  }
0x297: {  	[tilespmem:s29+$0x0] =	vst v1;
	v1 =	vmax.f32 v12, $0.0e+00;
	v2 =	vadd.f32 v2, v14;
	v12 =	vld [tilespmem:s12+$0xFFFFFF00]  }
0x298: {  	v14 =	vadd.f32 v60, v13;
	v13 =	vld [tilespmem:s12+$0xFFFFFF80];
	[tilespmem:s30+$0xFFFFFE70] =	vst v1;
	v1 =	vmax.f32 v15, $0.0e+00  }
0x299: {  	v15 =	vadd.f32 v8, v5;
	[tilespmem:s30+$0xFFFFFEF0] =	vst v1;
	v8 =	vld [tilespmem:s31+$0xFFFFFE80];
	v2 =	vmax.f32 v2, $0.0e+00  }
0x29a: {  	v1 =	vadd.f32 v7, v4;
	v5 =	vmax.f32 v14, $0.0e+00;
	v4 =	vld [tilespmem:s31+$0xFFFFFF00];
	[tilespmem:s30+$0xFFFFFF70] =	vst v2  }
0x29b: {  	s13 =	simm.s32 $0xA3F0;
	s20 =	simm.s32 $0x25F0;
	s12 =	simm.s32 $0x44;
	v2 =	vadd.f32 v6, v3;
	[tilespmem:s30+$0x0] =	vst v5;
	v3 =	vadd.f32 v63, v15;
	v5 =	vld [tilespmem:s31+$0xFFFFFF80]  }
.LBB2_8:
0x29c: {  	v6 =	vld [tilespmem:s20+$0xFFFFFF90];
	s31 =	sadd.s32 $0x200, s31;
	v1 =	vadd.f32 v12, v1  }
0x29d: {  	s12 =	sadd.s32 $0x4, s12;
	v7 =	vld [tilespmem:s31+$0xFFFFFF90];
	v12 =	vmax.f32 v3, $0.0e+00;
	v2 =	vadd.f32 v13, v2  }
0x29e: {  	s0 =	sadd.s32 $0x200, s0;
	p1 =	slt.u32 s12, $0x7C;
	v13 =	vld [tilespmem:s31+$0xFFFFFE10];
	v3 =	vadd.f32 v8, v11;
	[tilespmem:s29+$0xFFFFFE80] =	vst v12;
	v8 =	vmax.f32 v1, $0.0e+00  }
0x29f: {  	v11 =	vld [tilespmem:s0+$0xFFFFFF90];
	v1 =	vadd.f32 v4, v9;
	[tilespmem:s29+$0xFFFFFF00] =	vst v8;
	v4 =	vmax.f32 v2, $0.0e+00  }
0x2a0: {  	v8 =	vld [tilespmem:s20+$0xFFFFFE90];
	v2 =	vadd.f32 v5, v10;
	[tilespmem:s29+$0xFFFFFF80] =	vst v4;
	s29 =	smov.u32 s30;
	s30 =	smov.u32 s20  }
0x2a1: {  	v4 =	vld [tilespmem:s31+$0xFFFFFE90]  }
0x2a2: {  	v5 =	vld [tilespmem:s20+$0xFFFFFF10];
	v6 =	vadd.f32 v7, v6  }
0x2a3: {  	v7 =	vld [tilespmem:s31+$0xFFFFFF10]  }
0x2a4: {  	v9 =	vld [tilespmem:s20+$0xFFFFFE10];
	v6 =	vadd.f32 v11, v6  }
0x2a5: {  	v10 =	vld [tilespmem:s0+$0xFFFFFE10]  }
0x2a6: {  	v4 =	vadd.f32 v4, v8;
	v8 =	vld [tilespmem:s0+$0xFFFFFE90];
	v6 =	vmax.f32 v6, $0.0e+00  }
0x2a7: {  	[tilespmem:s20+$0xFFFFFF90] =	vst v6;
	v6 =	vld [tilespmem:s20+$0xFFFFFFA0]  }
0x2a8: {  	v5 =	vadd.f32 v7, v5;
	v7 =	vld [tilespmem:s31+$0xFFFFFFA0]  }
0x2a9: {  	v9 =	vadd.f32 v13, v9;
	v11 =	vld [tilespmem:s0+$0xFFFFFF10]  }
0x2aa: {  	v12 =	vld [tilespmem:s0+$0xFFFFFFA0]  }
0x2ab: {  	v9 =	vadd.f32 v10, v9;
	v10 =	vld [tilespmem:s20+$0xFFFFFE20];
	v4 =	vadd.f32 v8, v4  }
0x2ac: {  	v8 =	vld [tilespmem:s20+$0xFFFFFEA0]  }
0x2ad: {  	v9 =	vmax.f32 v9, $0.0e+00;
	v4 =	vmax.f32 v4, $0.0e+00;
	v13 =	vld [tilespmem:s20+$0xFFFFFF20];
	v6 =	vadd.f32 v7, v6  }
0x2ae: {  	[tilespmem:s20+$0xFFFFFE10] =	vst v9;
	v7 =	vld [tilespmem:s20+$0xFFFFFE30];
	v5 =	vadd.f32 v11, v5  }
0x2af: {  	v9 =	vld [tilespmem:s31+$0xFFFFFE20];
	[tilespmem:s20+$0xFFFFFE90] =	vst v4;
	v4 =	vadd.f32 v12, v6  }
0x2b0: {  	v6 =	vld [tilespmem:s31+$0xFFFFFEA0];
	v5 =	vmax.f32 v5, $0.0e+00  }
0x2b1: {  	v11 =	vld [tilespmem:s0+$0xFFFFFE20];
	[tilespmem:s20+$0xFFFFFF10] =	vst v5;
	v4 =	vmax.f32 v4, $0.0e+00  }
0x2b2: {  	[tilespmem:s20+$0xFFFFFFA0] =	vst v4;
	v4 =	vld [tilespmem:s20+$0xFFFFFFB0]  }
0x2b3: {  	v5 =	vld [tilespmem:s31+$0xFFFFFFB0]  }
0x2b4: {  	v9 =	vadd.f32 v9, v10;
	v10 =	vld [tilespmem:s31+$0xFFFFFF20]  }
0x2b5: {  	v6 =	vadd.f32 v6, v8;
	v8 =	vld [tilespmem:s0+$0xFFFFFFB0]  }
0x2b6: {  	v9 =	vadd.f32 v11, v9;
	v11 =	vld [tilespmem:s0+$0xFFFFFEA0]  }
0x2b7: {  	v12 =	vld [tilespmem:s0+$0xFFFFFF20]  }
0x2b8: {  	v9 =	vmax.f32 v9, $0.0e+00;
	v14 =	vld [tilespmem:s20+$0xFFFFFEB0];
	v4 =	vadd.f32 v5, v4  }
0x2b9: {  	[tilespmem:s20+$0xFFFFFE20] =	vst v9;
	v5 =	vadd.f32 v10, v13;
	v9 =	vld [tilespmem:s20+$0xFFFFFF30]  }
0x2ba: {  	v10 =	vld [tilespmem:s31+$0xFFFFFE30];
	v4 =	vadd.f32 v8, v4  }
0x2bb: {  	v8 =	vld [tilespmem:s0+$0xFFFFFE30];
	v6 =	vadd.f32 v11, v6  }
0x2bc: {  	v11 =	vld [tilespmem:s20+$0xFFFFFE40];
	v5 =	vadd.f32 v12, v5;
	v4 =	vmax.f32 v4, $0.0e+00  }
0x2bd: {  	v6 =	vmax.f32 v6, $0.0e+00;
	[tilespmem:s20+$0xFFFFFFB0] =	vst v4;
	v4 =	vld [tilespmem:s20+$0xFFFFFFC0]  }
0x2be: {  	[tilespmem:s20+$0xFFFFFEA0] =	vst v6;
	v5 =	vmax.f32 v5, $0.0e+00;
	v6 =	vld [tilespmem:s31+$0xFFFFFFC0]  }
0x2bf: {  	v7 =	vadd.f32 v10, v7;
	v10 =	vld [tilespmem:s31+$0xFFFFFEB0];
	[tilespmem:s20+$0xFFFFFF20] =	vst v5  }
0x2c0: {  	v5 =	vld [tilespmem:s0+$0xFFFFFFC0]  }
0x2c1: {  	v7 =	vadd.f32 v8, v7;
	v8 =	vld [tilespmem:s31+$0xFFFFFF30]  }
0x2c2: {  	v12 =	vld [tilespmem:s0+$0xFFFFFEB0]  }
0x2c3: {  	v7 =	vmax.f32 v7, $0.0e+00;
	v13 =	vld [tilespmem:s0+$0xFFFFFF30];
	v4 =	vadd.f32 v6, v4  }
0x2c4: {  	[tilespmem:s20+$0xFFFFFE30] =	vst v7;
	v6 =	vadd.f32 v10, v14;
	v7 =	vld [tilespmem:s20+$0xFFFFFEC0]  }
0x2c5: {  	v10 =	vld [tilespmem:s31+$0xFFFFFE40];
	v4 =	vadd.f32 v5, v4  }
0x2c6: {  	v5 =	vadd.f32 v8, v9;
	v8 =	vld [tilespmem:s20+$0xFFFFFF40]  }
0x2c7: {  	v9 =	vld [tilespmem:s0+$0xFFFFFE40];
	v6 =	vadd.f32 v12, v6;
	v4 =	vmax.f32 v4, $0.0e+00  }
0x2c8: {  	v5 =	vadd.f32 v13, v5;
	[tilespmem:s20+$0xFFFFFFC0] =	vst v4;
	v4 =	vld [tilespmem:s20+$0xFFFFFFD0]  }
0x2c9: {  	v6 =	vmax.f32 v6, $0.0e+00;
	v12 =	vld [tilespmem:s31+$0xFFFFFFD0]  }
0x2ca: {  	v10 =	vadd.f32 v10, v11;
	v11 =	vld [tilespmem:s20+$0xFFFFFE50];
	[tilespmem:s20+$0xFFFFFEB0] =	vst v6;
	v5 =	vmax.f32 v5, $0.0e+00  }
0x2cb: {  	[tilespmem:s20+$0xFFFFFF30] =	vst v5;
	v5 =	vld [tilespmem:s0+$0xFFFFFFD0]  }
0x2cc: {  	v6 =	vadd.f32 v9, v10;
	v9 =	vld [tilespmem:s31+$0xFFFFFEC0]  }
0x2cd: {  	v10 =	vld [tilespmem:s31+$0xFFFFFF40]  }
0x2ce: {  	v6 =	vmax.f32 v6, $0.0e+00;
	v13 =	vld [tilespmem:s0+$0xFFFFFEC0];
	v4 =	vadd.f32 v12, v4  }
0x2cf: {  	[tilespmem:s20+$0xFFFFFE40] =	vst v6;
	v6 =	vld [tilespmem:s0+$0xFFFFFF40]  }
0x2d0: {  	v12 =	vld [tilespmem:s31+$0xFFFFFE50];
	v4 =	vadd.f32 v5, v4  }
0x2d1: {  	v5 =	vadd.f32 v9, v7;
	v7 =	vld [tilespmem:s20+$0xFFFFFED0]  }
0x2d2: {  	v8 =	vadd.f32 v10, v8;
	v9 =	vld [tilespmem:s20+$0xFFFFFF50];
	v4 =	vmax.f32 v4, $0.0e+00  }
0x2d3: {  	v5 =	vadd.f32 v13, v5;
	[tilespmem:s20+$0xFFFFFFD0] =	vst v4;
	v4 =	vld [tilespmem:s20+$0xFFFFFFE0]  }
0x2d4: {  	v6 =	vadd.f32 v6, v8;
	v8 =	vld [tilespmem:s31+$0xFFFFFFE0]  }
0x2d5: {  	v10 =	vadd.f32 v12, v11;
	v11 =	vld [tilespmem:s0+$0xFFFFFE50];
	v5 =	vmax.f32 v5, $0.0e+00  }
0x2d6: {  	[tilespmem:s20+$0xFFFFFEC0] =	vst v5;
	v5 =	vmax.f32 v6, $0.0e+00;
	v6 =	vld [tilespmem:s0+$0xFFFFFFE0]  }
0x2d7: {  	v12 =	vld [tilespmem:s31+$0xFFFFFED0];
	[tilespmem:s20+$0xFFFFFF40] =	vst v5  }
0x2d8: {  	v5 =	vld [tilespmem:s31+$0xFFFFFF50]  }
0x2d9: {  	v13 =	vld [tilespmem:s0+$0xFFFFFED0];
	v4 =	vadd.f32 v8, v4  }
0x2da: {  	v8 =	vadd.f32 v11, v10;
	v10 =	vld [tilespmem:s0+$0xFFFFFF50]  }
0x2db: {  	v11 =	vld [tilespmem:s20+$0xFFFFFE60];
	v4 =	vadd.f32 v6, v4  }
0x2dc: {  	v6 =	vmax.f32 v8, $0.0e+00;
	v7 =	vadd.f32 v12, v7;
	v8 =	vld [tilespmem:s20+$0xFFFFFEE0]  }
0x2dd: {  	[tilespmem:s20+$0xFFFFFE50] =	vst v6;
	v5 =	vadd.f32 v5, v9;
	v6 =	vld [tilespmem:s20+$0xFFFFFF60];
	v4 =	vmax.f32 v4, $0.0e+00  }
0x2de: {  	v7 =	vadd.f32 v13, v7;
	[tilespmem:s20+$0xFFFFFFE0] =	vst v4;
	v4 =	vld [tilespmem:s20+$0xFFFFFFF0]  }
0x2df: {  	v5 =	vadd.f32 v10, v5;
	v9 =	vld [tilespmem:s31+$0xFFFFFFF0]  }
0x2e0: {  	v10 =	vld [tilespmem:s31+$0xFFFFFE60];
	v7 =	vmax.f32 v7, $0.0e+00  }
0x2e1: {  	[tilespmem:s20+$0xFFFFFED0] =	vst v7;
	v5 =	vmax.f32 v5, $0.0e+00;
	v7 =	vld [tilespmem:s0+$0xFFFFFFF0]  }
0x2e2: {  	v12 =	vld [tilespmem:s31+$0xFFFFFEE0];
	[tilespmem:s20+$0xFFFFFF50] =	vst v5  }
0x2e3: {  	v5 =	vld [tilespmem:s31+$0xFFFFFF60]  }
0x2e4: {  	v13 =	vld [tilespmem:s0+$0xFFFFFE60];
	v4 =	vadd.f32 v9, v4  }
0x2e5: {  	v9 =	vadd.f32 v10, v11;
	v10 =	vld [tilespmem:s0+$0xFFFFFEE0]  }
0x2e6: {  	v11 =	vld [tilespmem:s0+$0xFFFFFF60];
	v4 =	vadd.f32 v7, v4  }
0x2e7: {  	v7 =	vld [tilespmem:s20+$0xFFFFFE70];
	v8 =	vadd.f32 v12, v8  }
0x2e8: {  	v12 =	vld [tilespmem:s20+$0xFFFFFEF0];
	v5 =	vadd.f32 v5, v6;
	v4 =	vmax.f32 v4, $0.0e+00  }
0x2e9: {  	v6 =	vadd.f32 v13, v9;
	[tilespmem:s20+$0xFFFFFFF0] =	vst v4;
	v4 =	vld [tilespmem:s20+$0x0]  }
0x2ea: {  	v8 =	vadd.f32 v10, v8;
	v9 =	vld [tilespmem:s31+$0x0]  }
0x2eb: {  	v6 =	vmax.f32 v6, $0.0e+00;
	v5 =	vadd.f32 v11, v5;
	v10 =	vld [tilespmem:s20+$0xFFFFFF70]  }
0x2ec: {  	[tilespmem:s20+$0xFFFFFE60] =	vst v6;
	v6 =	vmax.f32 v8, $0.0e+00;
	v8 =	vld [tilespmem:s0+$0x0]  }
0x2ed: {  	v11 =	vld [tilespmem:s31+$0xFFFFFE70];
	[tilespmem:s20+$0xFFFFFEE0] =	vst v6;
	v5 =	vmax.f32 v5, $0.0e+00  }
0x2ee: {  	v6 =	vld [tilespmem:s31+$0xFFFFFEF0];
	[tilespmem:s20+$0xFFFFFF60] =	vst v5  }
0x2ef: {  	v5 =	vld [tilespmem:s31+$0xFFFFFF70];
	v4 =	vadd.f32 v9, v4  }
0x2f0: {  	v13 =	vld [tilespmem:s0+$0xFFFFFE70]  }
0x2f1: {  	v14 =	vld [tilespmem:s0+$0xFFFFFEF0];
	v4 =	vadd.f32 v8, v4  }
0x2f2: {  	v7 =	vadd.f32 v11, v7;
	v8 =	vld [tilespmem:s0+$0xFFFFFF70]  }
0x2f3: {  	v11 =	vld [tilespmem:s20+$0xFFFFFE80];
	v6 =	vadd.f32 v6, v12;
	v4 =	vmax.f32 v4, $0.0e+00  }
0x2f4: {  	v9 =	vld [tilespmem:s20+$0xFFFFFF00];
	v5 =	vadd.f32 v5, v10;
	[tilespmem:s20+$0x0] =	vst v4  }
0x2f5: {  	v4 =	vadd.f32 v13, v7;
	v10 =	vld [tilespmem:s20+$0xFFFFFF80]  }
0x2f6: {  	v6 =	vadd.f32 v14, v6;
	v7 =	vld [tilespmem:s13+$0xFFFFFE80]  }
.Ltmp7:
0x2f7: {  	v4 =	vmax.f32 v4, $0.0e+00;
	v5 =	vadd.f32 v8, v5;
	v12 =	vld [tilespmem:s13+$0xFFFFFF00];
	(pc) =	sbr.rel @p1 .LBB2_8-.Ltmp7, $4  }
0x2f8: {  	[tilespmem:s20+$0xFFFFFE70] =	vst v4;
	v4 =	vmax.f32 v6, $0.0e+00;
	v13 =	vld [tilespmem:s13+$0xFFFFFF80];
	s13 =	smov.u32 s0  }
0x2f9: {  	v8 =	vld [tilespmem:s31+$0xFFFFFE80];
	[tilespmem:s20+$0xFFFFFEF0] =	vst v4;
	v5 =	vmax.f32 v5, $0.0e+00  }
0x2fa: {  	v4 =	vld [tilespmem:s31+$0xFFFFFF00];
	[tilespmem:s20+$0xFFFFFF70] =	vst v5  }
0x2fb: {  	s20 =	sadd.s32 $0x200, s20;
	v5 =	vld [tilespmem:s31+$0xFFFFFF80];
	v3 =	vadd.f32 v7, v3  }
0x2fc: {  	v6 =	vld [tilespmem:s13+$0xFFFFFE80]  }
0x2fd: {  	v7 =	vld [tilespmem:s13+$0xFFFFFF00]  }
0x2fe: {  	v14 =	vld [tilespmem:s13+$0xFFFFFF80]  }
0x2ff: {  	v1 =	vadd.f32 v12, v1;
	v8 =	vadd.f32 v8, v11  }
0x300: {  	v2 =	vadd.f32 v13, v2;
	v3 =	vmax.f32 v3, $0.0e+00;
	v4 =	vadd.f32 v4, v9  }
0x301: {  	[tilespmem:s29+$0xFFFFFE80] =	vst v3;
	v1 =	vmax.f32 v1, $0.0e+00;
	v3 =	vadd.f32 v5, v10;
	v63 =	vadd.f32 v6, v8  }
0x302: {  	[tilespmem:s29+$0xFFFFFF00] =	vst v1;
	v1 =	vmax.f32 v2, $0.0e+00;
	v2 =	vadd.f32 v7, v4  }
0x303: {  	[tilespmem:s29+$0xFFFFFF80] =	vst v1;
	v3 =	vadd.f32 v14, v3;
	v1 =	vmax.f32 v63, $0.0e+00  }
0x304: {  	[tilespmem:s30+$0xFFFFFE80] =	vst v1;
	v1 =	vmax.f32 v2, $0.0e+00  }
0x305: {  	[tilespmem:s30+$0xFFFFFF00] =	vst v1;
	v1 =	vmax.f32 v3, $0.0e+00  }
0x306: {  	s0 =	sadd.s32 s3, s18;
	[tilespmem:s30+$0xFFFFFF80] =	vst v1;
	s30 =	simm.s32 $0x2000  }
0x307: {  	[hbm4b:s0+s4] =	stream.linear.scatter [tilespmem:s30], [sflag:$0x6], $0x2000, $0x38;
	[tilespmem:$0x1FA00] =	vst v63  }
0x308: {  	_ =	swait.ge [sflag:s21], $0x80  }
0x309: {  	[sflag:s21] =	ssyncset.done $0x0  }
0x30a: {  	[sflag:s21] =	ssyncadd.s32 $0xFFFFFF80  }
0x30b: {  	s31 =	rddreg [dreg:$0x3]  }
0x30c: {  	[spmem:s31] =	stream.indirect.scatter.add.f32 [tilespmem:s4], [sflag:$0x7], $0x80, s25, s16, $0xb8;
	[tilespmem:$0x1FA00] =	vst v63  }
0x30d: {  	_ =	swait.ge [sflag:s22], $0x4000  }
0x30e: {  	[sflag:s22] =	ssyncset.done $0x0  }
0x30f: {  	[sflag:s22] =	ssyncadd.s32 $0xFFFFC000  }
0x310: {  	_ =	swait.ge [sflag:s11], $0x2000  }
.Ltmp8:
0x311: {  	[sflag:s11] =	ssyncset.done $0x0;
	(pc) =	sbr.rel .LBB2_10-.Ltmp8, $4  }
0x312: {  	[sflag:s11] =	ssyncadd.s32 $0xFFFFE000  }
0x313: {  	_ =	swait.ge [sflag:s11], $0x2000  }
0x314: {  	[sflag:s11] =	ssyncset.done $0x0  }
0x315: {  	[sflag:s11] =	ssyncadd.s32 $0xFFFFE000  }
.LBB2_12:
0x316: {  	_ =	sfence.sel $0x180000  }
0x317: {  	[bflag:$0x0] =	sbarrier.arrive $0xFFFF  }
0x318: {  	_ =	strace $0x90000047  }
0x319: {  	[bflag:$0x2] =	sbarrier.arrive $0xFFFF  }
0x31a: {  	p0 =	sne.s32 s5, $0x0;
	s0 =	rddreg [dreg:$0x4]  }
0x31b: {  	s0 =	sadd.s32 @!p0 $0x100000, s0  }
0x31c: {  	[sflag:s0] =	ssyncadd.tile.s32 @!p0 $0x1;
	_ =	shalt  }
.Lfunc_end2:
_tile_overlayer_lowered:
.L_overlay_start_2:
0x31d: {  	(tag) =	ssettag $0x2  }
0x31e: {  	s0 =	rddreg [dreg:$0x0];
	s2 =	stileid.u32  }
0x31f: {  	s1 =	rddreg [dreg:$0x1];
	p0 =	sne.s32 s2, $0x0  }
0x320: {  	s3 =	rddreg [dreg:$0x2];
	[bflag:$0x3] =	sbarrier.arrive $0xFFFF;
	s2 =	simm.s32 @!p0 $0x1C07  }
0x321: {  	[timem:s3], [sflag:s2] =	dma.local @!p0 [hbm:s0], s1  }
0x322: {  	s0 =	simm.s32 @!p0 $0x7  }
0x323: {  	_ =	swait.ge @!p0 [sflag:s0], s1  }
0x324: {  	s1 =	ssub.s32 @!p0 $0x0, s1;
	[sflag:s0] =	ssyncset.done @!p0 $0x0  }
0x325: {  	[sflag:s0] =	ssyncadd.s32 @!p0 s1  }
0x326: {  	[bflag:$0x3] =	sbarrier.arrive $0xFFFF  }
0x327: {  	_ =	shalt  }

</sc_bundles>
